<compile_context>
chip_gen: v7x
topology: tpu7x:2x2x1
jax: 0.10.2.dev20260603
libtpu: 0.0.44.dev20260713+nightly
codegen_flags: <defaults>
</compile_context>

<pallas_src>
import jax
import jax.numpy as jnp
from jax import lax
from jax.experimental import pallas as pl
from jax.experimental.pallas import tpu as pltpu
from jax.experimental.pallas import tpu_sc as plsc

N = 10000
E = 320000
C_IN = 128
C_OUT = 128
KV = 27

NC, NS = 2, 16
NW = NC * NS
BE = 128
CH0, CH1 = 128, 32
TCH = NS * (CH0 + CH1)
PH = 32
EPAD = TCH * BE
NPAD = N + 112
RPT = NPAD // NS


def _mm_body(x_ref, w_ref, o_ref):
    for k in range(KV):
        o_ref[k] = jnp.dot(x_ref[...], w_ref[k],
                           preferred_element_type=jnp.float32)


def _bn_body(p_ref, g_ref, b_ref, o_ref):
    s = p_ref[0, :N, :] + p_ref[1, :N, :]
    mean = jnp.mean(s, axis=0, keepdims=True)
    var = jnp.mean(s * s, axis=0, keepdims=True) - mean * mean
    inv = lax.rsqrt(var + 1e-5)
    o_ref[...] = jnp.maximum((s - mean) * inv * g_ref[...] + b_ref[...], 0.0)


def _sc_scatter_body(xw_hbm, g_hbm, d_hbm, out_hbm,
                     g_v, d_v, rows0_v, rows1_v, acc_sh, sem0, sem1):
    c = lax.axis_index("c")
    s = lax.axis_index("s")

    rows = (rows0_v, rows1_v)
    sems = (sem0, sem1)

    def zbody(i, carry):
        rows0_v[i >> 3, pl.ds((i & 7) * 16, 16)] = jnp.zeros((16,),
                                                             jnp.float32)
        return carry

    lax.fori_loop(0, BE * 8, zbody, 0)
    for t in range(4):
        pltpu.sync_copy(rows0_v,
                        acc_sh.at[pl.ds(s * RPT + t * BE, BE)])
    pltpu.sync_copy(rows0_v.at[pl.ds(0, RPT - 4 * BE)],
                    acc_sh.at[pl.ds(s * RPT + 4 * BE, RPT - 4 * BE)])
    plsc.subcore_barrier()

    def _phase(row0):
        pltpu.sync_copy(g_hbm.at[pl.ds(row0, PH)], g_v)
        pltpu.sync_copy(d_hbm.at[pl.ds(row0, PH)], d_v)

        pltpu.async_copy(xw_hbm.at[g_v.at[0]], rows[0], sems[0])

        def body(j, carry):
            for b in range(2):
                i = 2 * j + b
                pltpu.make_async_copy(xw_hbm.at[g_v.at[i]],
                                      rows[b], sems[b]).wait()

                @pl.when(i + 1 < PH)
                def _():
                    pltpu.async_copy(xw_hbm.at[g_v.at[i + 1]],
                                     rows[1 - b], sems[1 - b])

                pltpu.sync_copy(rows[b], acc_sh.at[d_v.at[i]], add=True)
            return carry

        lax.fori_loop(0, PH // 2, body, 0)

    @pl.when(c == 0)
    def _():
        for h in range(CH0 // PH):
            _phase(s * CH0 + h * PH)

    @pl.when(c == 1)
    def _():
        for h in range(CH1 // PH):
            _phase(NS * CH0 + s * CH1 + h * PH)

    plsc.subcore_barrier()

    @pl.when(c == 0)
    def _():
        pltpu.sync_copy(acc_sh.at[pl.ds(s * RPT, RPT)],
                        out_hbm.at[0, pl.ds(s * RPT, RPT)])

    @pl.when(c == 1)
    def _():
        pltpu.sync_copy(acc_sh.at[pl.ds(s * 160, 160)],
                        out_hbm.at[1, pl.ds(s * 160, 160)])


def kernel(x, edge_index, kernel_id, W, gamma, beta):
    src = edge_index[0].astype(jnp.int32)
    dst = edge_index[1].astype(jnp.int32)
    kid = kernel_id.astype(jnp.int32)

    n_blk = 10
    bn = N // n_blk
    xw = pl.pallas_call(
        _mm_body,
        grid=(n_blk,),
        in_specs=[pl.BlockSpec((bn, C_IN), lambda i: (i, 0)),
                  pl.BlockSpec((KV, C_IN, C_OUT), lambda i: (0, 0, 0))],
        out_specs=pl.BlockSpec((KV, bn, C_OUT), lambda i: (0, i, 0)),
        out_shape=jax.ShapeDtypeStruct((KV, N, C_OUT), jnp.float32),
    )(x, W)
    xw_rows = xw.reshape(KV * N, C_OUT)

    g = kid * N + src
    pad = EPAD - E
    g2 = jnp.concatenate([g, jnp.zeros((pad,), jnp.int32)]).reshape(TCH, BE)
    d2 = jnp.concatenate([dst, jnp.full((pad,), N, jnp.int32)]).reshape(TCH, BE)

    mesh = plsc.VectorSubcoreMesh(core_axis_name="c", subcore_axis_name="s")
    partials = pl.kernel(
        _sc_scatter_body,
        out_type=jax.ShapeDtypeStruct((NC, NPAD, C_OUT), jnp.float32),
        mesh=mesh,
        scratch_types=[
            pltpu.VMEM((PH, BE), jnp.int32),
            pltpu.VMEM((PH, BE), jnp.int32),
            pltpu.VMEM((BE, C_OUT), jnp.float32),
            pltpu.VMEM((BE, C_OUT), jnp.float32),
            pltpu.VMEM_SHARED((NPAD, C_OUT), jnp.float32),
            pltpu.SemaphoreType.DMA,
            pltpu.SemaphoreType.DMA,
        ],
    )(xw_rows, g2, d2)

    out = pl.pallas_call(
        _bn_body,
        in_specs=[pl.BlockSpec((NC, NPAD, C_OUT), lambda: (0, 0, 0)),
                  pl.BlockSpec((1, C_OUT), lambda: (0, 0)),
                  pl.BlockSpec((1, C_OUT), lambda: (0, 0))],
        out_specs=pl.BlockSpec((N, C_OUT), lambda: (0, 0)),
        out_shape=jax.ShapeDtypeStruct((N, C_OUT), jnp.float32),
    )(partials, gamma.reshape(1, C_OUT), beta.reshape(1, C_OUT))
    return out

# --- scband reference (transcript-rebuilt; emitter-appended) ---
"""Pipeline reference for scband-basic-sparse-deconvolution-block-31190052503632 (READ-ONLY COPY).

The authoritative reference and input builder live on the scoring server;
editing this copy changes nothing except your own understanding.
"""

import jax, jax.numpy as jnp
import numpy as np

N_NODES = 10000
N_EDGES = 320000
C_IN = 128
C_OUT = 128
KVOL = 27  # 3x3x3 transposed-conv kernel offsets


def setup_inputs(seed: int = 0) -> dict:
    key = jax.random.key(seed)
    k0, k1, k2, k3, k4 = jax.random.split(key, 5)
    x = jax.random.normal(k0, (N_NODES, C_IN), dtype=jnp.float32)
    # kernel map: (src_input_voxel, dst_output_voxel) pairs, one per nonzero kernel-offset match
    edge_index = jax.random.randint(k1, (2, N_EDGES), 0, N_NODES)
    kernel_id = jax.random.randint(k2, (N_EDGES,), 0, KVOL)
    # learned params: per-offset weight of spnn.Conv3d(transposed=True), BN affine params
    W = jax.random.normal(k3, (KVOL, C_IN, C_OUT), dtype=jnp.float32) * 0.05
    gamma = jnp.ones((C_OUT,), dtype=jnp.float32)
    beta = jnp.zeros((C_OUT,), dtype=jnp.float32)
    return {"x": x, "edge_index": edge_index, "kernel_id": kernel_id, "W": W, "gamma": gamma, "beta": beta}


def reference(x, edge_index, kernel_id, W, gamma, beta):
    # Sparse transposed 3D conv expressed via precomputed kernel maps:
    # out[j] = sum_{edges e with dst_e=j} x[src_e] @ W[kernel_id_e]
    # Reassociated per kernel offset (linearity): gather -> masked scatter-add -> matmul.
    src = edge_index[0]
    dst = edge_index[1]
    xg = jnp.take(x, src, axis=0)  # [E, C_in] gather
    N = x.shape[0]
    out = jnp.zeros((N, W.shape[2]), dtype=x.dtype)
    for k in range(W.shape[0]):
        mask = (kernel_id == k).astype(x.dtype)[:, None]
        agg = jnp.zeros((N, x.shape[1]), dtype=x.dtype).at[dst].add(xg * mask)  # scatter-add
        out = out + agg @ W[k]
    # spnn.BatchNorm (training-mode batch stats over active voxels)
    mean = jnp.mean(out, axis=0)
    var = jnp.var(out, axis=0)
    out = (out - mean) / jnp.sqrt(var + 1e-5) * gamma + beta
    # spnn.ReLU
    return jnp.maximum(out, 0.0)

if __name__ == "__main__":
    import jax
    _d = setup_inputs()
    print(jax.jit(kernel)(*tuple(_d.values())))

</pallas_src>

<mosaic_0001>
#map = affine_map<(d0, d1) -> (0, 0)>
#map1 = affine_map<(d0, d1) -> (0, 0, 0)>
module attributes {stable_mosaic.version = 14 : i64} {
  func.func @_sc_scatter_body(%arg0: i32, %arg1: i32, %arg2: memref<270000x128xf32, #tpu.memory_space<hbm>>, %arg3: memref<2560x128xi32, #tpu.memory_space<hbm>>, %arg4: memref<2560x128xi32, #tpu.memory_space<hbm>>, %arg5: memref<2x10112x128xf32, #tpu.memory_space<hbm>>, %arg6: memref<32x128xi32, #tpu.memory_space<vmem>>, %arg7: memref<32x128xi32, #tpu.memory_space<vmem>>, %arg8: memref<128x128xf32, #tpu.memory_space<vmem>>, %arg9: memref<128x128xf32, #tpu.memory_space<vmem>>, %arg10: memref<10112x128xf32, #tpu.memory_space<vmem_shared>>, %arg11: memref<!tpu.dma_semaphore, #tpu.memory_space<semaphore_mem>>, %arg12: memref<!tpu.dma_semaphore, #tpu.memory_space<semaphore_mem>>) attributes {dimension_semantics = [#tpu.dimension_semantics<core_parallel>, #tpu.dimension_semantics<subcore_parallel>], iteration_bounds = array<i64: 2, 16>, scalar_prefetch = 0 : i64, scratch_operands = 7 : i64, tpu.core_type = #tpu.core_type<sc_vector_subcore>, window_params = [{transform_indices = #map}, {transform_indices = #map}, {transform_indices = #map}, {transform_indices = #map1}]} {
    %scan3A = arith.constant 0 : i32
    %scan3A_0 = arith.constant 0 : i32
    %scan3A_1 = arith.constant 1024 : i32
    %scan3A_2 = arith.addi %scan3A_0, %scan3A_1 : i32
    %scan3A_3 = arith.constant 1 : i32
    scf.for %scan3A_41 = %scan3A_0 to %scan3A_2 step %scan3A_3  : i32 {
      %broadcast_in_dim3A = arith.constant 0.000000e+00 : f32
      %broadcast_in_dim3A_42 = vector.broadcast %broadcast_in_dim3A : f32 to vector<16xf32>
      %shift_right_arithmetic3A = arith.constant 3 : i32
      %shift_right_arithmetic3A_43 = arith.shrsi %scan3A_41, %shift_right_arithmetic3A : i32
      %and3A = arith.constant 7 : i32
      %and3A_44 = arith.andi %scan3A_41, %and3A : i32
      %mul3A_45 = arith.constant 16 : i32
      %mul3A_46 = arith.muli %and3A_44, %mul3A_45 : i32
      %swap3A = arith.index_cast %shift_right_arithmetic3A_43 : i32 to index
      %swap3A_47 = arith.index_cast %mul3A_46 : i32 to index
      %swap3A_48 = tpu.vector_load %arg8[%swap3A, %swap3A_47] {strides = array<i32>} : memref<128x128xf32, #tpu.memory_space<vmem>>, vector<1x16xf32>,
      %swap3A_49 = vector.shape_cast %swap3A_48 : vector<1x16xf32> to vector<16xf32>
      %swap3A_50 = vector.shape_cast %broadcast_in_dim3A_42 : vector<16xf32> to vector<1x16xf32>
      tpu.vector_store %arg8[%swap3A, %swap3A_47], %swap3A_50 {strides = array<i32>} : memref<128x128xf32, #tpu.memory_space<vmem>>, vector<1x16xf32>,
    }
    %scan3A_4 = arith.constant 1024 : i32
    %mul3A = arith.constant 632 : i32
    %mul3A_5 = arith.muli %arg1, %mul3A : i32
    %add3A = arith.constant 0 : i32
    %add3A_6 = arith.addi %mul3A_5, %add3A : i32
    "tpu.region"() ({
      %run_scoped3A = tpu.sem_alloc : memref<!tpu.dma_semaphore, #tpu.memory_space<semaphore_mem>>
      %dma_start3A = arith.constant 0 : i32
      %dma_start3A_41 = tpu.memref_slice %arg10[%add3A_6, %dma_start3A] : memref<10112x128xf32, #tpu.memory_space<vmem_shared>> -> memref<128x128xf32, #tpu.memory_space<vmem_shared>>
      %dma_start3A_42 = arith.constant 0 : i32
      %dma_start3A_43 = tpu.memref_slice %arg10[%add3A_6, %dma_start3A_42] : memref<10112x128xf32, #tpu.memory_space<vmem_shared>> -> memref<128x128xf32, #tpu.memory_space<vmem_shared>>
      tpu.enqueue_dma source(%arg8 : memref<128x128xf32, #tpu.memory_space<vmem>>) target(%dma_start3A_43 : memref<128x128xf32, #tpu.memory_space<vmem_shared>>) target_semaphore(%run_scoped3A : memref<!tpu.dma_semaphore, #tpu.memory_space<semaphore_mem>>)
      %dma_wait3A = arith.constant 0 : i32
      %dma_wait3A_44 = tpu.memref_slice %arg10[%add3A_6, %dma_wait3A] : memref<10112x128xf32, #tpu.memory_space<vmem_shared>> -> memref<128x128xf32, #tpu.memory_space<vmem_shared>>
      %dma_wait3A_45 = arith.constant 0 : i32
      %dma_wait3A_46 = tpu.memref_slice %arg10[%add3A_6, %dma_wait3A_45] : memref<10112x128xf32, #tpu.memory_space<vmem_shared>> -> memref<128x128xf32, #tpu.memory_space<vmem_shared>>
      tpu.wait_dma2 semaphore(%run_scoped3A : memref<!tpu.dma_semaphore, #tpu.memory_space<semaphore_mem>>) src(%arg8 : memref<128x128xf32, #tpu.memory_space<vmem>>) dst(%dma_wait3A_46 : memref<128x128xf32, #tpu.memory_space<vmem_shared>>)
      tpu.yield
    }) : () -> ()
    %mul3A_7 = arith.constant 632 : i32
    %mul3A_8 = arith.muli %arg1, %mul3A_7 : i32
    %add3A_9 = arith.constant 128 : i32
    %add3A_10 = arith.addi %mul3A_8, %add3A_9 : i32
    "tpu.region"() ({
      %run_scoped3A = tpu.sem_alloc : memref<!tpu.dma_semaphore, #tpu.memory_space<semaphore_mem>>
      %dma_start3A = arith.constant 0 : i32
      %dma_start3A_41 = tpu.memref_slice %arg10[%add3A_10, %dma_start3A] : memref<10112x128xf32, #tpu.memory_space<vmem_shared>> -> memref<128x128xf32, #tpu.memory_space<vmem_shared>>
      %dma_start3A_42 = arith.constant 0 : i32
      %dma_start3A_43 = tpu.memref_slice %arg10[%add3A_10, %dma_start3A_42] : memref<10112x128xf32, #tpu.memory_space<vmem_shared>> -> memref<128x128xf32, #tpu.memory_space<vmem_shared>>
      tpu.enqueue_dma source(%arg8 : memref<128x128xf32, #tpu.memory_space<vmem>>) target(%dma_start3A_43 : memref<128x128xf32, #tpu.memory_space<vmem_shared>>) target_semaphore(%run_scoped3A : memref<!tpu.dma_semaphore, #tpu.memory_space<semaphore_mem>>)
      %dma_wait3A = arith.constant 0 : i32
      %dma_wait3A_44 = tpu.memref_slice %arg10[%add3A_10, %dma_wait3A] : memref<10112x128xf32, #tpu.memory_space<vmem_shared>> -> memref<128x128xf32, #tpu.memory_space<vmem_shared>>
      %dma_wait3A_45 = arith.constant 0 : i32
      %dma_wait3A_46 = tpu.memref_slice %arg10[%add3A_10, %dma_wait3A_45] : memref<10112x128xf32, #tpu.memory_space<vmem_shared>> -> memref<128x128xf32, #tpu.memory_space<vmem_shared>>
      tpu.wait_dma2 semaphore(%run_scoped3A : memref<!tpu.dma_semaphore, #tpu.memory_space<semaphore_mem>>) src(%arg8 : memref<128x128xf32, #tpu.memory_space<vmem>>) dst(%dma_wait3A_46 : memref<128x128xf32, #tpu.memory_space<vmem_shared>>)
      tpu.yield
    }) : () -> ()
    %mul3A_11 = arith.constant 632 : i32
    %mul3A_12 = arith.muli %arg1, %mul3A_11 : i32
    %add3A_13 = arith.constant 256 : i32
    %add3A_14 = arith.addi %mul3A_12, %add3A_13 : i32
    "tpu.region"() ({
      %run_scoped3A = tpu.sem_alloc : memref<!tpu.dma_semaphore, #tpu.memory_space<semaphore_mem>>
      %dma_start3A = arith.constant 0 : i32
      %dma_start3A_41 = tpu.memref_slice %arg10[%add3A_14, %dma_start3A] : memref<10112x128xf32, #tpu.memory_space<vmem_shared>> -> memref<128x128xf32, #tpu.memory_space<vmem_shared>>
      %dma_start3A_42 = arith.constant 0 : i32
      %dma_start3A_43 = tpu.memref_slice %arg10[%add3A_14, %dma_start3A_42] : memref<10112x128xf32, #tpu.memory_space<vmem_shared>> -> memref<128x128xf32, #tpu.memory_space<vmem_shared>>
      tpu.enqueue_dma source(%arg8 : memref<128x128xf32, #tpu.memory_space<vmem>>) target(%dma_start3A_43 : memref<128x128xf32, #tpu.memory_space<vmem_shared>>) target_semaphore(%run_scoped3A : memref<!tpu.dma_semaphore, #tpu.memory_space<semaphore_mem>>)
      %dma_wait3A = arith.constant 0 : i32
      %dma_wait3A_44 = tpu.memref_slice %arg10[%add3A_14, %dma_wait3A] : memref<10112x128xf32, #tpu.memory_space<vmem_shared>> -> memref<128x128xf32, #tpu.memory_space<vmem_shared>>
      %dma_wait3A_45 = arith.constant 0 : i32
      %dma_wait3A_46 = tpu.memref_slice %arg10[%add3A_14, %dma_wait3A_45] : memref<10112x128xf32, #tpu.memory_space<vmem_shared>> -> memref<128x128xf32, #tpu.memory_space<vmem_shared>>
      tpu.wait_dma2 semaphore(%run_scoped3A : memref<!tpu.dma_semaphore, #tpu.memory_space<semaphore_mem>>) src(%arg8 : memref<128x128xf32, #tpu.memory_space<vmem>>) dst(%dma_wait3A_46 : memref<128x128xf32, #tpu.memory_space<vmem_shared>>)
      tpu.yield
    }) : () -> ()
    %mul3A_15 = arith.constant 632 : i32
    %mul3A_16 = arith.muli %arg1, %mul3A_15 : i32
    %add3A_17 = arith.constant 384 : i32
    %add3A_18 = arith.addi %mul3A_16, %add3A_17 : i32
    "tpu.region"() ({
      %run_scoped3A = tpu.sem_alloc : memref<!tpu.dma_semaphore, #tpu.memory_space<semaphore_mem>>
      %dma_start3A = arith.constant 0 : i32
      %dma_start3A_41 = tpu.memref_slice %arg10[%add3A_18, %dma_start3A] : memref<10112x128xf32, #tpu.memory_space<vmem_shared>> -> memref<128x128xf32, #tpu.memory_space<vmem_shared>>
      %dma_start3A_42 = arith.constant 0 : i32
      %dma_start3A_43 = tpu.memref_slice %arg10[%add3A_18, %dma_start3A_42] : memref<10112x128xf32, #tpu.memory_space<vmem_shared>> -> memref<128x128xf32, #tpu.memory_space<vmem_shared>>
      tpu.enqueue_dma source(%arg8 : memref<128x128xf32, #tpu.memory_space<vmem>>) target(%dma_start3A_43 : memref<128x128xf32, #tpu.memory_space<vmem_shared>>) target_semaphore(%run_scoped3A : memref<!tpu.dma_semaphore, #tpu.memory_space<semaphore_mem>>)
      %dma_wait3A = arith.constant 0 : i32
      %dma_wait3A_44 = tpu.memref_slice %arg10[%add3A_18, %dma_wait3A] : memref<10112x128xf32, #tpu.memory_space<vmem_shared>> -> memref<128x128xf32, #tpu.memory_space<vmem_shared>>
      %dma_wait3A_45 = arith.constant 0 : i32
      %dma_wait3A_46 = tpu.memref_slice %arg10[%add3A_18, %dma_wait3A_45] : memref<10112x128xf32, #tpu.memory_space<vmem_shared>> -> memref<128x128xf32, #tpu.memory_space<vmem_shared>>
      tpu.wait_dma2 semaphore(%run_scoped3A : memref<!tpu.dma_semaphore, #tpu.memory_space<semaphore_mem>>) src(%arg8 : memref<128x128xf32, #tpu.memory_space<vmem>>) dst(%dma_wait3A_46 : memref<128x128xf32, #tpu.memory_space<vmem_shared>>)
      tpu.yield
    }) : () -> ()
    %mul3A_19 = arith.constant 632 : i32
    %mul3A_20 = arith.muli %arg1, %mul3A_19 : i32
    %add3A_21 = arith.constant 512 : i32
    %add3A_22 = arith.addi %mul3A_20, %add3A_21 : i32
    "tpu.region"() ({
      %run_scoped3A = tpu.sem_alloc : memref<!tpu.dma_semaphore, #tpu.memory_space<semaphore_mem>>
      %dma_start3A = arith.constant 0 : i32
      %dma_start3A_41 = arith.constant 0 : i32
      %dma_start3A_42 = tpu.memref_slice %arg8[%dma_start3A, %dma_start3A_41] : memref<128x128xf32, #tpu.memory_space<vmem>> -> memref<120x128xf32, #tpu.memory_space<vmem>>
      %dma_start3A_43 = arith.constant 0 : i32
      %dma_start3A_44 = tpu.memref_slice %arg10[%add3A_22, %dma_start3A_43] : memref<10112x128xf32, #tpu.memory_space<vmem_shared>> -> memref<120x128xf32, #tpu.memory_space<vmem_shared>>
      %dma_start3A_45 = arith.constant 0 : i32
      %dma_start3A_46 = tpu.memref_slice %arg10[%add3A_22, %dma_start3A_45] : memref<10112x128xf32, #tpu.memory_space<vmem_shared>> -> memref<120x128xf32, #tpu.memory_space<vmem_shared>>
      %dma_start3A_47 = arith.constant 0 : i32
      %dma_start3A_48 = arith.constant 0 : i32
      %dma_start3A_49 = tpu.memref_slice %arg8[%dma_start3A_47, %dma_start3A_48] : memref<128x128xf32, #tpu.memory_space<vmem>> -> memref<120x128xf32, #tpu.memory_space<vmem>>
      tpu.enqueue_dma source(%dma_start3A_49 : memref<120x128xf32, #tpu.memory_space<vmem>>) target(%dma_start3A_46 : memref<120x128xf32, #tpu.memory_space<vmem_shared>>) target_semaphore(%run_scoped3A : memref<!tpu.dma_semaphore, #tpu.memory_space<semaphore_mem>>)
      %dma_wait3A = arith.constant 0 : i32
      %dma_wait3A_50 = arith.constant 0 : i32
      %dma_wait3A_51 = tpu.memref_slice %arg8[%dma_wait3A, %dma_wait3A_50] : memref<128x128xf32, #tpu.memory_space<vmem>> -> memref<120x128xf32, #tpu.memory_space<vmem>>
      %dma_wait3A_52 = arith.constant 0 : i32
      %dma_wait3A_53 = tpu.memref_slice %arg10[%add3A_22, %dma_wait3A_52] : memref<10112x128xf32, #tpu.memory_space<vmem_shared>> -> memref<120x128xf32, #tpu.memory_space<vmem_shared>>
      %dma_wait3A_54 = arith.constant 0 : i32
      %dma_wait3A_55 = tpu.memref_slice %arg10[%add3A_22, %dma_wait3A_54] : memref<10112x128xf32, #tpu.memory_space<vmem_shared>> -> memref<120x128xf32, #tpu.memory_space<vmem_shared>>
      %dma_wait3A_56 = arith.constant 0 : i32
      %dma_wait3A_57 = arith.constant 0 : i32
      %dma_wait3A_58 = tpu.memref_slice %arg8[%dma_wait3A_56, %dma_wait3A_57] : memref<128x128xf32, #tpu.memory_space<vmem>> -> memref<120x128xf32, #tpu.memory_space<vmem>>
      tpu.wait_dma2 semaphore(%run_scoped3A : memref<!tpu.dma_semaphore, #tpu.memory_space<semaphore_mem>>) src(%dma_wait3A_58 : memref<120x128xf32, #tpu.memory_space<vmem>>) dst(%dma_wait3A_55 : memref<120x128xf32, #tpu.memory_space<vmem_shared>>)
      tpu.yield
    }) : () -> ()
    %barrier3A = arith.constant 0 : index
    tpu.barrier barrier_id(%barrier3A)
    %eq3A = arith.constant 0 : i32
    %eq3A_23 = arith.cmpi eq, %arg0, %eq3A : i32
    %convert_element_type3A = arith.extui %eq3A_23 : i1 to i32
    %cond3A = arith.constant 0 : i32
    %cond3A_24 = arith.cmpi ne, %convert_element_type3A, %cond3A : i32
    scf.if %cond3A_24 {
      %mul3A_41 = arith.constant 128 : i32
      %mul3A_42 = arith.muli %arg1, %mul3A_41 : i32
      %add3A_43 = arith.constant 0 : i32
      %add3A_44 = arith.addi %mul3A_42, %add3A_43 : i32
      "tpu.region"() ({
        %run_scoped3A = tpu.sem_alloc : memref<!tpu.dma_semaphore, #tpu.memory_space<semaphore_mem>>
        %dma_start3A_108 = arith.constant 0 : i32
        %dma_start3A_109 = tpu.memref_slice %arg3[%add3A_44, %dma_start3A_108] : memref<2560x128xi32, #tpu.memory_space<hbm>> -> memref<32x128xi32, #tpu.memory_space<hbm>>
        %dma_start3A_110 = arith.constant 0 : i32
        %dma_start3A_111 = tpu.memref_slice %arg3[%add3A_44, %dma_start3A_110] : memref<2560x128xi32, #tpu.memory_space<hbm>> -> memref<32x128xi32, #tpu.memory_space<hbm>>
        tpu.enqueue_dma source(%dma_start3A_111 : memref<32x128xi32, #tpu.memory_space<hbm>>) target(%arg6 : memref<32x128xi32, #tpu.memory_space<vmem>>) target_semaphore(%run_scoped3A : memref<!tpu.dma_semaphore, #tpu.memory_space<semaphore_mem>>)
        %dma_wait3A = arith.constant 0 : i32
        %dma_wait3A_112 = tpu.memref_slice %arg3[%add3A_44, %dma_wait3A] : memref<2560x128xi32, #tpu.memory_space<hbm>> -> memref<32x128xi32, #tpu.memory_space<hbm>>
        %dma_wait3A_113 = arith.constant 0 : i32
        %dma_wait3A_114 = tpu.memref_slice %arg3[%add3A_44, %dma_wait3A_113] : memref<2560x128xi32, #tpu.memory_space<hbm>> -> memref<32x128xi32, #tpu.memory_space<hbm>>
        tpu.wait_dma2 semaphore(%run_scoped3A : memref<!tpu.dma_semaphore, #tpu.memory_space<semaphore_mem>>) src(%dma_wait3A_114 : memref<32x128xi32, #tpu.memory_space<hbm>>) dst(%arg6 : memref<32x128xi32, #tpu.memory_space<vmem>>)
        tpu.yield
      }) : () -> ()
      "tpu.region"() ({
        %run_scoped3A = tpu.sem_alloc : memref<!tpu.dma_semaphore, #tpu.memory_space<semaphore_mem>>
        %dma_start3A_108 = arith.constant 0 : i32
        %dma_start3A_109 = tpu.memref_slice %arg4[%add3A_44, %dma_start3A_108] : memref<2560x128xi32, #tpu.memory_space<hbm>> -> memref<32x128xi32, #tpu.memory_space<hbm>>
        %dma_start3A_110 = arith.constant 0 : i32
        %dma_start3A_111 = tpu.memref_slice %arg4[%add3A_44, %dma_start3A_110] : memref<2560x128xi32, #tpu.memory_space<hbm>> -> memref<32x128xi32, #tpu.memory_space<hbm>>
        tpu.enqueue_dma source(%dma_start3A_111 : memref<32x128xi32, #tpu.memory_space<hbm>>) target(%arg7 : memref<32x128xi32, #tpu.memory_space<vmem>>) target_semaphore(%run_scoped3A : memref<!tpu.dma_semaphore, #tpu.memory_space<semaphore_mem>>)
        %dma_wait3A = arith.constant 0 : i32
        %dma_wait3A_112 = tpu.memref_slice %arg4[%add3A_44, %dma_wait3A] : memref<2560x128xi32, #tpu.memory_space<hbm>> -> memref<32x128xi32, #tpu.memory_space<hbm>>
        %dma_wait3A_113 = arith.constant 0 : i32
        %dma_wait3A_114 = tpu.memref_slice %arg4[%add3A_44, %dma_wait3A_113] : memref<2560x128xi32, #tpu.memory_space<hbm>> -> memref<32x128xi32, #tpu.memory_space<hbm>>
        tpu.wait_dma2 semaphore(%run_scoped3A : memref<!tpu.dma_semaphore, #tpu.memory_space<semaphore_mem>>) src(%dma_wait3A_114 : memref<32x128xi32, #tpu.memory_space<hbm>>) dst(%arg7 : memref<32x128xi32, #tpu.memory_space<vmem>>)
        tpu.yield
      }) : () -> ()
      %dma_start3A = arith.constant 0 : i32
      %dma_start3A_45 = arith.constant 0 : i32
      %dma_start3A_46 = tpu.memref_slice %arg6[%dma_start3A, %dma_start3A_45] : memref<32x128xi32, #tpu.memory_space<vmem>> -> memref<1x128xi32, #tpu.memory_space<vmem>>
      %dma_start3A_47 = tpu.memref_squeeze %dma_start3A_46 : memref<1x128xi32, #tpu.memory_space<vmem>> -> memref<128xi32, #tpu.memory_space<vmem>>
      %dma_start3A_48 = arith.constant 0 : i32
      %dma_start3A_49 = arith.constant 0 : i32
      %dma_start3A_50 = tpu.memref_slice %arg2[%dma_start3A_48, %dma_start3A_49] : memref<270000x128xf32, #tpu.memory_space<hbm>> -> memref<270000x128xf32, #tpu.memory_space<hbm>>
      tpu.enqueue_indirect_dma source(%dma_start3A_50 : memref<270000x128xf32, #tpu.memory_space<hbm>>) target(%arg8 : memref<128x128xf32, #tpu.memory_space<vmem>>) offsets(%dma_start3A_47 : memref<128xi32, #tpu.memory_space<vmem>>) semaphore(%arg11 : memref<!tpu.dma_semaphore, #tpu.memory_space<semaphore_mem>>)
      %scan3A_51 = arith.constant 0 : i32
      %scan3A_52 = arith.constant 0 : i32
      %scan3A_53 = arith.constant 16 : i32
      %scan3A_54 = arith.addi %scan3A_52, %scan3A_53 : i32
      %scan3A_55 = arith.constant 1 : i32
      scf.for %scan3A_108 = %scan3A_52 to %scan3A_54 step %scan3A_55  : i32 {
        %mul3A_109 = arith.constant 2 : i32
        %mul3A_110 = arith.muli %mul3A_109, %scan3A_108 : i32
        %add3A_111 = arith.constant 0 : i32
        %add3A_112 = arith.addi %mul3A_110, %add3A_111 : i32
        %dma_wait3A = arith.constant 0 : i32
        %dma_wait3A_113 = tpu.memref_slice %arg6[%add3A_112, %dma_wait3A] : memref<32x128xi32, #tpu.memory_space<vmem>> -> memref<1x128xi32, #tpu.memory_space<vmem>>
        %dma_wait3A_114 = tpu.memref_squeeze %dma_wait3A_113 : memref<1x128xi32, #tpu.memory_space<vmem>> -> memref<128xi32, #tpu.memory_space<vmem>>
        %dma_wait3A_115 = arith.constant 0 : i32
        %dma_wait3A_116 = arith.constant 0 : i32
        %dma_wait3A_117 = tpu.memref_slice %arg2[%dma_wait3A_115, %dma_wait3A_116] : memref<270000x128xf32, #tpu.memory_space<hbm>> -> memref<270000x128xf32, #tpu.memory_space<hbm>>
        tpu.wait_indirect_dma semaphore(%arg11 : memref<!tpu.dma_semaphore, #tpu.memory_space<semaphore_mem>>) src(%dma_wait3A_117 : memref<270000x128xf32, #tpu.memory_space<hbm>>) dst(%arg8 : memref<128x128xf32, #tpu.memory_space<vmem>>)
        %add3A_118 = arith.constant 1 : i32
        %add3A_119 = arith.addi %add3A_112, %add3A_118 : i32
        %lt3A = arith.constant 32 : i32
        %lt3A_120 = arith.cmpi slt, %add3A_119, %lt3A : i32
        %convert_element_type3A_121 = arith.extui %lt3A_120 : i1 to i32
        %cond3A_122 = arith.constant 0 : i32
        %cond3A_123 = arith.cmpi ne, %convert_element_type3A_121, %cond3A_122 : i32
        scf.if %cond3A_123 {
          %add3A_141 = arith.constant 1 : i32
          %add3A_142 = arith.addi %add3A_112, %add3A_141 : i32
          %dma_start3A_143 = arith.constant 0 : i32
          %dma_start3A_144 = tpu.memref_slice %arg6[%add3A_142, %dma_start3A_143] : memref<32x128xi32, #tpu.memory_space<vmem>> -> memref<1x128xi32, #tpu.memory_space<vmem>>
          %dma_start3A_145 = tpu.memref_squeeze %dma_start3A_144 : memref<1x128xi32, #tpu.memory_space<vmem>> -> memref<128xi32, #tpu.memory_space<vmem>>
          %dma_start3A_146 = arith.constant 0 : i32
          %dma_start3A_147 = arith.constant 0 : i32
          %dma_start3A_148 = tpu.memref_slice %arg2[%dma_start3A_146, %dma_start3A_147] : memref<270000x128xf32, #tpu.memory_space<hbm>> -> memref<270000x128xf32, #tpu.memory_space<hbm>>
          tpu.enqueue_indirect_dma source(%dma_start3A_148 : memref<270000x128xf32, #tpu.memory_space<hbm>>) target(%arg9 : memref<128x128xf32, #tpu.memory_space<vmem>>) offsets(%dma_start3A_145 : memref<128xi32, #tpu.memory_space<vmem>>) semaphore(%arg12 : memref<!tpu.dma_semaphore, #tpu.memory_space<semaphore_mem>>)
        } else {
        }
        "tpu.region"() ({
          %run_scoped3A = tpu.sem_alloc : memref<!tpu.dma_semaphore, #tpu.memory_space<semaphore_mem>>
          %dma_start3A_141 = arith.constant 0 : i32
          %dma_start3A_142 = tpu.memref_slice %arg7[%add3A_112, %dma_start3A_141] : memref<32x128xi32, #tpu.memory_space<vmem>> -> memref<1x128xi32, #tpu.memory_space<vmem>>
          %dma_start3A_143 = tpu.memref_squeeze %dma_start3A_142 : memref<1x128xi32, #tpu.memory_space<vmem>> -> memref<128xi32, #tpu.memory_space<vmem>>
          %dma_start3A_144 = arith.constant 0 : i32
          %dma_start3A_145 = arith.constant 0 : i32
          %dma_start3A_146 = tpu.memref_slice %arg10[%dma_start3A_144, %dma_start3A_145] : memref<10112x128xf32, #tpu.memory_space<vmem_shared>> -> memref<10112x128xf32, #tpu.memory_space<vmem_shared>>
          tpu.enqueue_indirect_dma source(%arg8 : memref<128x128xf32, #tpu.memory_space<vmem>>) target(%dma_start3A_146 : memref<10112x128xf32, #tpu.memory_space<vmem_shared>>) offsets(%dma_start3A_143 : memref<128xi32, #tpu.memory_space<vmem>>) semaphore(%run_scoped3A : memref<!tpu.dma_semaphore, #tpu.memory_space<semaphore_mem>>) {add = true}
          %dma_wait3A_147 = arith.constant 0 : i32
          %dma_wait3A_148 = tpu.memref_slice %arg7[%add3A_112, %dma_wait3A_147] : memref<32x128xi32, #tpu.memory_space<vmem>> -> memref<1x128xi32, #tpu.memory_space<vmem>>
          %dma_wait3A_149 = tpu.memref_squeeze %dma_wait3A_148 : memref<1x128xi32, #tpu.memory_space<vmem>> -> memref<128xi32, #tpu.memory_space<vmem>>
          %dma_wait3A_150 = arith.constant 0 : i32
          %dma_wait3A_151 = arith.constant 0 : i32
          %dma_wait3A_152 = tpu.memref_slice %arg10[%dma_wait3A_150, %dma_wait3A_151] : memref<10112x128xf32, #tpu.memory_space<vmem_shared>> -> memref<10112x128xf32, #tpu.memory_space<vmem_shared>>
          tpu.wait_indirect_dma semaphore(%run_scoped3A : memref<!tpu.dma_semaphore, #tpu.memory_space<semaphore_mem>>) src(%arg8 : memref<128x128xf32, #tpu.memory_space<vmem>>) dst(%dma_wait3A_152 : memref<10112x128xf32, #tpu.memory_space<vmem_shared>>)
          tpu.yield
        }) : () -> ()
        %mul3A_124 = arith.constant 2 : i32
        %mul3A_125 = arith.muli %mul3A_124, %scan3A_108 : i32
        %add3A_126 = arith.constant 1 : i32
        %add3A_127 = arith.addi %mul3A_125, %add3A_126 : i32
        %dma_wait3A_128 = arith.constant 0 : i32
        %dma_wait3A_129 = tpu.memref_slice %arg6[%add3A_127, %dma_wait3A_128] : memref<32x128xi32, #tpu.memory_space<vmem>> -> memref<1x128xi32, #tpu.memory_space<vmem>>
        %dma_wait3A_130 = tpu.memref_squeeze %dma_wait3A_129 : memref<1x128xi32, #tpu.memory_space<vmem>> -> memref<128xi32, #tpu.memory_space<vmem>>
        %dma_wait3A_131 = arith.constant 0 : i32
        %dma_wait3A_132 = arith.constant 0 : i32
        %dma_wait3A_133 = tpu.memref_slice %arg2[%dma_wait3A_131, %dma_wait3A_132] : memref<270000x128xf32, #tpu.memory_space<hbm>> -> memref<270000x128xf32, #tpu.memory_space<hbm>>
        tpu.wait_indirect_dma semaphore(%arg12 : memref<!tpu.dma_semaphore, #tpu.memory_space<semaphore_mem>>) src(%dma_wait3A_133 : memref<270000x128xf32, #tpu.memory_space<hbm>>) dst(%arg9 : memref<128x128xf32, #tpu.memory_space<vmem>>)
        %add3A_134 = arith.constant 1 : i32
        %add3A_135 = arith.addi %add3A_127, %add3A_134 : i32
        %lt3A_136 = arith.constant 32 : i32
        %lt3A_137 = arith.cmpi slt, %add3A_135, %lt3A_136 : i32
        %convert_element_type3A_138 = arith.extui %lt3A_137 : i1 to i32
        %cond3A_139 = arith.constant 0 : i32
        %cond3A_140 = arith.cmpi ne, %convert_element_type3A_138, %cond3A_139 : i32
        scf.if %cond3A_140 {
          %add3A_141 = arith.constant 1 : i32
          %add3A_142 = arith.addi %add3A_127, %add3A_141 : i32
          %dma_start3A_143 = arith.constant 0 : i32
          %dma_start3A_144 = tpu.memref_slice %arg6[%add3A_142, %dma_start3A_143] : memref<32x128xi32, #tpu.memory_space<vmem>> -> memref<1x128xi32, #tpu.memory_space<vmem>>
          %dma_start3A_145 = tpu.memref_squeeze %dma_start3A_144 : memref<1x128xi32, #tpu.memory_space<vmem>> -> memref<128xi32, #tpu.memory_space<vmem>>
          %dma_start3A_146 = arith.constant 0 : i32
          %dma_start3A_147 = arith.constant 0 : i32
          %dma_start3A_148 = tpu.memref_slice %arg2[%dma_start3A_146, %dma_start3A_147] : memref<270000x128xf32, #tpu.memory_space<hbm>> -> memref<270000x128xf32, #tpu.memory_space<hbm>>
          tpu.enqueue_indirect_dma source(%dma_start3A_148 : memref<270000x128xf32, #tpu.memory_space<hbm>>) target(%arg8 : memref<128x128xf32, #tpu.memory_space<vmem>>) offsets(%dma_start3A_145 : memref<128xi32, #tpu.memory_space<vmem>>) semaphore(%arg11 : memref<!tpu.dma_semaphore, #tpu.memory_space<semaphore_mem>>)
        } else {
        }
        "tpu.region"() ({
          %run_scoped3A = tpu.sem_alloc : memref<!tpu.dma_semaphore, #tpu.memory_space<semaphore_mem>>
          %dma_start3A_141 = arith.constant 0 : i32
          %dma_start3A_142 = tpu.memref_slice %arg7[%add3A_127, %dma_start3A_141] : memref<32x128xi32, #tpu.memory_space<vmem>> -> memref<1x128xi32, #tpu.memory_space<vmem>>
          %dma_start3A_143 = tpu.memref_squeeze %dma_start3A_142 : memref<1x128xi32, #tpu.memory_space<vmem>> -> memref<128xi32, #tpu.memory_space<vmem>>
          %dma_start3A_144 = arith.constant 0 : i32
          %dma_start3A_145 = arith.constant 0 : i32
          %dma_start3A_146 = tpu.memref_slice %arg10[%dma_start3A_144, %dma_start3A_145] : memref<10112x128xf32, #tpu.memory_space<vmem_shared>> -> memref<10112x128xf32, #tpu.memory_space<vmem_shared>>
          tpu.enqueue_indirect_dma source(%arg9 : memref<128x128xf32, #tpu.memory_space<vmem>>) target(%dma_start3A_146 : memref<10112x128xf32, #tpu.memory_space<vmem_shared>>) offsets(%dma_start3A_143 : memref<128xi32, #tpu.memory_space<vmem>>) semaphore(%run_scoped3A : memref<!tpu.dma_semaphore, #tpu.memory_space<semaphore_mem>>) {add = true}
          %dma_wait3A_147 = arith.constant 0 : i32
          %dma_wait3A_148 = tpu.memref_slice %arg7[%add3A_127, %dma_wait3A_147] : memref<32x128xi32, #tpu.memory_space<vmem>> -> memref<1x128xi32, #tpu.memory_space<vmem>>
          %dma_wait3A_149 = tpu.memref_squeeze %dma_wait3A_148 : memref<1x128xi32, #tpu.memory_space<vmem>> -> memref<128xi32, #tpu.memory_space<vmem>>
          %dma_wait3A_150 = arith.constant 0 : i32
          %dma_wait3A_151 = arith.constant 0 : i32
          %dma_wait3A_152 = tpu.memref_slice %arg10[%dma_wait3A_150, %dma_wait3A_151] : memref<10112x128xf32, #tpu.memory_space<vmem_shared>> -> memref<10112x128xf32, #tpu.memory_space<vmem_shared>>
          tpu.wait_indirect_dma semaphore(%run_scoped3A : memref<!tpu.dma_semaphore, #tpu.memory_space<semaphore_mem>>) src(%arg9 : memref<128x128xf32, #tpu.memory_space<vmem>>) dst(%dma_wait3A_152 : memref<10112x128xf32, #tpu.memory_space<vmem_shared>>)
          tpu.yield
        }) : () -> ()
      }
      %scan3A_56 = arith.constant 16 : i32
      %mul3A_57 = arith.constant 128 : i32
      %mul3A_58 = arith.muli %arg1, %mul3A_57 : i32
      %add3A_59 = arith.constant 32 : i32
      %add3A_60 = arith.addi %mul3A_58, %add3A_59 : i32
      "tpu.region"() ({
        %run_scoped3A = tpu.sem_alloc : memref<!tpu.dma_semaphore, #tpu.memory_space<semaphore_mem>>
        %dma_start3A_108 = arith.constant 0 : i32
        %dma_start3A_109 = tpu.memref_slice %arg3[%add3A_60, %dma_start3A_108] : memref<2560x128xi32, #tpu.memory_space<hbm>> -> memref<32x128xi32, #tpu.memory_space<hbm>>
        %dma_start3A_110 = arith.constant 0 : i32
        %dma_start3A_111 = tpu.memref_slice %arg3[%add3A_60, %dma_start3A_110] : memref<2560x128xi32, #tpu.memory_space<hbm>> -> memref<32x128xi32, #tpu.memory_space<hbm>>
        tpu.enqueue_dma source(%dma_start3A_111 : memref<32x128xi32, #tpu.memory_space<hbm>>) target(%arg6 : memref<32x128xi32, #tpu.memory_space<vmem>>) target_semaphore(%run_scoped3A : memref<!tpu.dma_semaphore, #tpu.memory_space<semaphore_mem>>)
        %dma_wait3A = arith.constant 0 : i32
        %dma_wait3A_112 = tpu.memref_slice %arg3[%add3A_60, %dma_wait3A] : memref<2560x128xi32, #tpu.memory_space<hbm>> -> memref<32x128xi32, #tpu.memory_space<hbm>>
        %dma_wait3A_113 = arith.constant 0 : i32
        %dma_wait3A_114 = tpu.memref_slice %arg3[%add3A_60, %dma_wait3A_113] : memref<2560x128xi32, #tpu.memory_space<hbm>> -> memref<32x128xi32, #tpu.memory_space<hbm>>
        tpu.wait_dma2 semaphore(%run_scoped3A : memref<!tpu.dma_semaphore, #tpu.memory_space<semaphore_mem>>) src(%dma_wait3A_114 : memref<32x128xi32, #tpu.memory_space<hbm>>) dst(%arg6 : memref<32x128xi32, #tpu.memory_space<vmem>>)
        tpu.yield
      }) : () -> ()
      "tpu.region"() ({
        %run_scoped3A = tpu.sem_alloc : memref<!tpu.dma_semaphore, #tpu.memory_space<semaphore_mem>>
        %dma_start3A_108 = arith.constant 0 : i32
        %dma_start3A_109 = tpu.memref_slice %arg4[%add3A_60, %dma_start3A_108] : memref<2560x128xi32, #tpu.memory_space<hbm>> -> memref<32x128xi32, #tpu.memory_space<hbm>>
        %dma_start3A_110 = arith.constant 0 : i32
        %dma_start3A_111 = tpu.memref_slice %arg4[%add3A_60, %dma_start3A_110] : memref<2560x128xi32, #tpu.memory_space<hbm>> -> memref<32x128xi32, #tpu.memory_space<hbm>>
        tpu.enqueue_dma source(%dma_start3A_111 : memref<32x128xi32, #tpu.memory_space<hbm>>) target(%arg7 : memref<32x128xi32, #tpu.memory_space<vmem>>) target_semaphore(%run_scoped3A : memref<!tpu.dma_semaphore, #tpu.memory_space<semaphore_mem>>)
        %dma_wait3A = arith.constant 0 : i32
        %dma_wait3A_112 = tpu.memref_slice %arg4[%add3A_60, %dma_wait3A] : memref<2560x128xi32, #tpu.memory_space<hbm>> -> memref<32x128xi32, #tpu.memory_space<hbm>>
        %dma_wait3A_113 = arith.constant 0 : i32
        %dma_wait3A_114 = tpu.memref_slice %arg4[%add3A_60, %dma_wait3A_113] : memref<2560x128xi32, #tpu.memory_space<hbm>> -> memref<32x128xi32, #tpu.memory_space<hbm>>
        tpu.wait_dma2 semaphore(%run_scoped3A : memref<!tpu.dma_semaphore, #tpu.memory_space<semaphore_mem>>) src(%dma_wait3A_114 : memref<32x128xi32, #tpu.memory_space<hbm>>) dst(%arg7 : memref<32x128xi32, #tpu.memory_space<vmem>>)
        tpu.yield
      }) : () -> ()
      %dma_start3A_61 = arith.constant 0 : i32
      %dma_start3A_62 = arith.constant 0 : i32
      %dma_start3A_63 = tpu.memref_slice %arg6[%dma_start3A_61, %dma_start3A_62] : memref<32x128xi32, #tpu.memory_space<vmem>> -> memref<1x128xi32, #tpu.memory_space<vmem>>
      %dma_start3A_64 = tpu.memref_squeeze %dma_start3A_63 : memref<1x128xi32, #tpu.memory_space<vmem>> -> memref<128xi32, #tpu.memory_space<vmem>>
      %dma_start3A_65 = arith.constant 0 : i32
      %dma_start3A_66 = arith.constant 0 : i32
      %dma_start3A_67 = tpu.memref_slice %arg2[%dma_start3A_65, %dma_start3A_66] : memref<270000x128xf32, #tpu.memory_space<hbm>> -> memref<270000x128xf32, #tpu.memory_space<hbm>>
      tpu.enqueue_indirect_dma source(%dma_start3A_67 : memref<270000x128xf32, #tpu.memory_space<hbm>>) target(%arg8 : memref<128x128xf32, #tpu.memory_space<vmem>>) offsets(%dma_start3A_64 : memref<128xi32, #tpu.memory_space<vmem>>) semaphore(%arg11 : memref<!tpu.dma_semaphore, #tpu.memory_space<semaphore_mem>>)
      %scan3A_68 = arith.constant 0 : i32
      %scan3A_69 = arith.constant 0 : i32
      %scan3A_70 = arith.constant 16 : i32
      %scan3A_71 = arith.addi %scan3A_69, %scan3A_70 : i32
      %scan3A_72 = arith.constant 1 : i32
      scf.for %scan3A_108 = %scan3A_69 to %scan3A_71 step %scan3A_72  : i32 {
        %mul3A_109 = arith.constant 2 : i32
        %mul3A_110 = arith.muli %mul3A_109, %scan3A_108 : i32
        %add3A_111 = arith.constant 0 : i32
        %add3A_112 = arith.addi %mul3A_110, %add3A_111 : i32
        %dma_wait3A = arith.constant 0 : i32
        %dma_wait3A_113 = tpu.memref_slice %arg6[%add3A_112, %dma_wait3A] : memref<32x128xi32, #tpu.memory_space<vmem>> -> memref<1x128xi32, #tpu.memory_space<vmem>>
        %dma_wait3A_114 = tpu.memref_squeeze %dma_wait3A_113 : memref<1x128xi32, #tpu.memory_space<vmem>> -> memref<128xi32, #tpu.memory_space<vmem>>
        %dma_wait3A_115 = arith.constant 0 : i32
        %dma_wait3A_116 = arith.constant 0 : i32
        %dma_wait3A_117 = tpu.memref_slice %arg2[%dma_wait3A_115, %dma_wait3A_116] : memref<270000x128xf32, #tpu.memory_space<hbm>> -> memref<270000x128xf32, #tpu.memory_space<hbm>>
        tpu.wait_indirect_dma semaphore(%arg11 : memref<!tpu.dma_semaphore, #tpu.memory_space<semaphore_mem>>) src(%dma_wait3A_117 : memref<270000x128xf32, #tpu.memory_space<hbm>>) dst(%arg8 : memref<128x128xf32, #tpu.memory_space<vmem>>)
        %add3A_118 = arith.constant 1 : i32
        %add3A_119 = arith.addi %add3A_112, %add3A_118 : i32
        %lt3A = arith.constant 32 : i32
        %lt3A_120 = arith.cmpi slt, %add3A_119, %lt3A : i32
        %convert_element_type3A_121 = arith.extui %lt3A_120 : i1 to i32
        %cond3A_122 = arith.constant 0 : i32
        %cond3A_123 = arith.cmpi ne, %convert_element_type3A_121, %cond3A_122 : i32
        scf.if %cond3A_123 {
          %add3A_141 = arith.constant 1 : i32
          %add3A_142 = arith.addi %add3A_112, %add3A_141 : i32
          %dma_start3A_143 = arith.constant 0 : i32
          %dma_start3A_144 = tpu.memref_slice %arg6[%add3A_142, %dma_start3A_143] : memref<32x128xi32, #tpu.memory_space<vmem>> -> memref<1x128xi32, #tpu.memory_space<vmem>>
          %dma_start3A_145 = tpu.memref_squeeze %dma_start3A_144 : memref<1x128xi32, #tpu.memory_space<vmem>> -> memref<128xi32, #tpu.memory_space<vmem>>
          %dma_start3A_146 = arith.constant 0 : i32
          %dma_start3A_147 = arith.constant 0 : i32
          %dma_start3A_148 = tpu.memref_slice %arg2[%dma_start3A_146, %dma_start3A_147] : memref<270000x128xf32, #tpu.memory_space<hbm>> -> memref<270000x128xf32, #tpu.memory_space<hbm>>
          tpu.enqueue_indirect_dma source(%dma_start3A_148 : memref<270000x128xf32, #tpu.memory_space<hbm>>) target(%arg9 : memref<128x128xf32, #tpu.memory_space<vmem>>) offsets(%dma_start3A_145 : memref<128xi32, #tpu.memory_space<vmem>>) semaphore(%arg12 : memref<!tpu.dma_semaphore, #tpu.memory_space<semaphore_mem>>)
        } else {
        }
        "tpu.region"() ({
          %run_scoped3A = tpu.sem_alloc : memref<!tpu.dma_semaphore, #tpu.memory_space<semaphore_mem>>
          %dma_start3A_141 = arith.constant 0 : i32
          %dma_start3A_142 = tpu.memref_slice %arg7[%add3A_112, %dma_start3A_141] : memref<32x128xi32, #tpu.memory_space<vmem>> -> memref<1x128xi32, #tpu.memory_space<vmem>>
          %dma_start3A_143 = tpu.memref_squeeze %dma_start3A_142 : memref<1x128xi32, #tpu.memory_space<vmem>> -> memref<128xi32, #tpu.memory_space<vmem>>
          %dma_start3A_144 = arith.constant 0 : i32
          %dma_start3A_145 = arith.constant 0 : i32
          %dma_start3A_146 = tpu.memref_slice %arg10[%dma_start3A_144, %dma_start3A_145] : memref<10112x128xf32, #tpu.memory_space<vmem_shared>> -> memref<10112x128xf32, #tpu.memory_space<vmem_shared>>
          tpu.enqueue_indirect_dma source(%arg8 : memref<128x128xf32, #tpu.memory_space<vmem>>) target(%dma_start3A_146 : memref<10112x128xf32, #tpu.memory_space<vmem_shared>>) offsets(%dma_start3A_143 : memref<128xi32, #tpu.memory_space<vmem>>) semaphore(%run_scoped3A : memref<!tpu.dma_semaphore, #tpu.memory_space<semaphore_mem>>) {add = true}
          %dma_wait3A_147 = arith.constant 0 : i32
          %dma_wait3A_148 = tpu.memref_slice %arg7[%add3A_112, %dma_wait3A_147] : memref<32x128xi32, #tpu.memory_space<vmem>> -> memref<1x128xi32, #tpu.memory_space<vmem>>
          %dma_wait3A_149 = tpu.memref_squeeze %dma_wait3A_148 : memref<1x128xi32, #tpu.memory_space<vmem>> -> memref<128xi32, #tpu.memory_space<vmem>>
          %dma_wait3A_150 = arith.constant 0 : i32
          %dma_wait3A_151 = arith.constant 0 : i32
          %dma_wait3A_152 = tpu.memref_slice %arg10[%dma_wait3A_150, %dma_wait3A_151] : memref<10112x128xf32, #tpu.memory_space<vmem_shared>> -> memref<10112x128xf32, #tpu.memory_space<vmem_shared>>
          tpu.wait_indirect_dma semaphore(%run_scoped3A : memref<!tpu.dma_semaphore, #tpu.memory_space<semaphore_mem>>) src(%arg8 : memref<128x128xf32, #tpu.memory_space<vmem>>) dst(%dma_wait3A_152 : memref<10112x128xf32, #tpu.memory_space<vmem_shared>>)
          tpu.yield
        }) : () -> ()
        %mul3A_124 = arith.constant 2 : i32
        %mul3A_125 = arith.muli %mul3A_124, %scan3A_108 : i32
        %add3A_126 = arith.constant 1 : i32
        %add3A_127 = arith.addi %mul3A_125, %add3A_126 : i32
        %dma_wait3A_128 = arith.constant 0 : i32
        %dma_wait3A_129 = tpu.memref_slice %arg6[%add3A_127, %dma_wait3A_128] : memref<32x128xi32, #tpu.memory_space<vmem>> -> memref<1x128xi32, #tpu.memory_space<vmem>>
        %dma_wait3A_130 = tpu.memref_squeeze %dma_wait3A_129 : memref<1x128xi32, #tpu.memory_space<vmem>> -> memref<128xi32, #tpu.memory_space<vmem>>
        %dma_wait3A_131 = arith.constant 0 : i32
        %dma_wait3A_132 = arith.constant 0 : i32
        %dma_wait3A_133 = tpu.memref_slice %arg2[%dma_wait3A_131, %dma_wait3A_132] : memref<270000x128xf32, #tpu.memory_space<hbm>> -> memref<270000x128xf32, #tpu.memory_space<hbm>>
        tpu.wait_indirect_dma semaphore(%arg12 : memref<!tpu.dma_semaphore, #tpu.memory_space<semaphore_mem>>) src(%dma_wait3A_133 : memref<270000x128xf32, #tpu.memory_space<hbm>>) dst(%arg9 : memref<128x128xf32, #tpu.memory_space<vmem>>)
        %add3A_134 = arith.constant 1 : i32
        %add3A_135 = arith.addi %add3A_127, %add3A_134 : i32
        %lt3A_136 = arith.constant 32 : i32
        %lt3A_137 = arith.cmpi slt, %add3A_135, %lt3A_136 : i32
        %convert_element_type3A_138 = arith.extui %lt3A_137 : i1 to i32
        %cond3A_139 = arith.constant 0 : i32
        %cond3A_140 = arith.cmpi ne, %convert_element_type3A_138, %cond3A_139 : i32
        scf.if %cond3A_140 {
          %add3A_141 = arith.constant 1 : i32
          %add3A_142 = arith.addi %add3A_127, %add3A_141 : i32
          %dma_start3A_143 = arith.constant 0 : i32
          %dma_start3A_144 = tpu.memref_slice %arg6[%add3A_142, %dma_start3A_143] : memref<32x128xi32, #tpu.memory_space<vmem>> -> memref<1x128xi32, #tpu.memory_space<vmem>>
          %dma_start3A_145 = tpu.memref_squeeze %dma_start3A_144 : memref<1x128xi32, #tpu.memory_space<vmem>> -> memref<128xi32, #tpu.memory_space<vmem>>
          %dma_start3A_146 = arith.constant 0 : i32
          %dma_start3A_147 = arith.constant 0 : i32
          %dma_start3A_148 = tpu.memref_slice %arg2[%dma_start3A_146, %dma_start3A_147] : memref<270000x128xf32, #tpu.memory_space<hbm>> -> memref<270000x128xf32, #tpu.memory_space<hbm>>
          tpu.enqueue_indirect_dma source(%dma_start3A_148 : memref<270000x128xf32, #tpu.memory_space<hbm>>) target(%arg8 : memref<128x128xf32, #tpu.memory_space<vmem>>) offsets(%dma_start3A_145 : memref<128xi32, #tpu.memory_space<vmem>>) semaphore(%arg11 : memref<!tpu.dma_semaphore, #tpu.memory_space<semaphore_mem>>)
        } else {
        }
        "tpu.region"() ({
          %run_scoped3A = tpu.sem_alloc : memref<!tpu.dma_semaphore, #tpu.memory_space<semaphore_mem>>
          %dma_start3A_141 = arith.constant 0 : i32
          %dma_start3A_142 = tpu.memref_slice %arg7[%add3A_127, %dma_start3A_141] : memref<32x128xi32, #tpu.memory_space<vmem>> -> memref<1x128xi32, #tpu.memory_space<vmem>>
          %dma_start3A_143 = tpu.memref_squeeze %dma_start3A_142 : memref<1x128xi32, #tpu.memory_space<vmem>> -> memref<128xi32, #tpu.memory_space<vmem>>
          %dma_start3A_144 = arith.constant 0 : i32
          %dma_start3A_145 = arith.constant 0 : i32
          %dma_start3A_146 = tpu.memref_slice %arg10[%dma_start3A_144, %dma_start3A_145] : memref<10112x128xf32, #tpu.memory_space<vmem_shared>> -> memref<10112x128xf32, #tpu.memory_space<vmem_shared>>
          tpu.enqueue_indirect_dma source(%arg9 : memref<128x128xf32, #tpu.memory_space<vmem>>) target(%dma_start3A_146 : memref<10112x128xf32, #tpu.memory_space<vmem_shared>>) offsets(%dma_start3A_143 : memref<128xi32, #tpu.memory_space<vmem>>) semaphore(%run_scoped3A : memref<!tpu.dma_semaphore, #tpu.memory_space<semaphore_mem>>) {add = true}
          %dma_wait3A_147 = arith.constant 0 : i32
          %dma_wait3A_148 = tpu.memref_slice %arg7[%add3A_127, %dma_wait3A_147] : memref<32x128xi32, #tpu.memory_space<vmem>> -> memref<1x128xi32, #tpu.memory_space<vmem>>
          %dma_wait3A_149 = tpu.memref_squeeze %dma_wait3A_148 : memref<1x128xi32, #tpu.memory_space<vmem>> -> memref<128xi32, #tpu.memory_space<vmem>>
          %dma_wait3A_150 = arith.constant 0 : i32
          %dma_wait3A_151 = arith.constant 0 : i32
          %dma_wait3A_152 = tpu.memref_slice %arg10[%dma_wait3A_150, %dma_wait3A_151] : memref<10112x128xf32, #tpu.memory_space<vmem_shared>> -> memref<10112x128xf32, #tpu.memory_space<vmem_shared>>
          tpu.wait_indirect_dma semaphore(%run_scoped3A : memref<!tpu.dma_semaphore, #tpu.memory_space<semaphore_mem>>) src(%arg9 : memref<128x128xf32, #tpu.memory_space<vmem>>) dst(%dma_wait3A_152 : memref<10112x128xf32, #tpu.memory_space<vmem_shared>>)
          tpu.yield
        }) : () -> ()
      }
      %scan3A_73 = arith.constant 16 : i32
      %mul3A_74 = arith.constant 128 : i32
      %mul3A_75 = arith.muli %arg1, %mul3A_74 : i32
      %add3A_76 = arith.constant 64 : i32
      %add3A_77 = arith.addi %mul3A_75, %add3A_76 : i32
      "tpu.region"() ({
        %run_scoped3A = tpu.sem_alloc : memref<!tpu.dma_semaphore, #tpu.memory_space<semaphore_mem>>
        %dma_start3A_108 = arith.constant 0 : i32
        %dma_start3A_109 = tpu.memref_slice %arg3[%add3A_77, %dma_start3A_108] : memref<2560x128xi32, #tpu.memory_space<hbm>> -> memref<32x128xi32, #tpu.memory_space<hbm>>
        %dma_start3A_110 = arith.constant 0 : i32
        %dma_start3A_111 = tpu.memref_slice %arg3[%add3A_77, %dma_start3A_110] : memref<2560x128xi32, #tpu.memory_space<hbm>> -> memref<32x128xi32, #tpu.memory_space<hbm>>
        tpu.enqueue_dma source(%dma_start3A_111 : memref<32x128xi32, #tpu.memory_space<hbm>>) target(%arg6 : memref<32x128xi32, #tpu.memory_space<vmem>>) target_semaphore(%run_scoped3A : memref<!tpu.dma_semaphore, #tpu.memory_space<semaphore_mem>>)
        %dma_wait3A = arith.constant 0 : i32
        %dma_wait3A_112 = tpu.memref_slice %arg3[%add3A_77, %dma_wait3A] : memref<2560x128xi32, #tpu.memory_space<hbm>> -> memref<32x128xi32, #tpu.memory_space<hbm>>
        %dma_wait3A_113 = arith.constant 0 : i32
        %dma_wait3A_114 = tpu.memref_slice %arg3[%add3A_77, %dma_wait3A_113] : memref<2560x128xi32, #tpu.memory_space<hbm>> -> memref<32x128xi32, #tpu.memory_space<hbm>>
        tpu.wait_dma2 semaphore(%run_scoped3A : memref<!tpu.dma_semaphore, #tpu.memory_space<semaphore_mem>>) src(%dma_wait3A_114 : memref<32x128xi32, #tpu.memory_space<hbm>>) dst(%arg6 : memref<32x128xi32, #tpu.memory_space<vmem>>)
        tpu.yield
      }) : () -> ()
      "tpu.region"() ({
        %run_scoped3A = tpu.sem_alloc : memref<!tpu.dma_semaphore, #tpu.memory_space<semaphore_mem>>
        %dma_start3A_108 = arith.constant 0 : i32
        %dma_start3A_109 = tpu.memref_slice %arg4[%add3A_77, %dma_start3A_108] : memref<2560x128xi32, #tpu.memory_space<hbm>> -> memref<32x128xi32, #tpu.memory_space<hbm>>
        %dma_start3A_110 = arith.constant 0 : i32
        %dma_start3A_111 = tpu.memref_slice %arg4[%add3A_77, %dma_start3A_110] : memref<2560x128xi32, #tpu.memory_space<hbm>> -> memref<32x128xi32, #tpu.memory_space<hbm>>
        tpu.enqueue_dma source(%dma_start3A_111 : memref<32x128xi32, #tpu.memory_space<hbm>>) target(%arg7 : memref<32x128xi32, #tpu.memory_space<vmem>>) target_semaphore(%run_scoped3A : memref<!tpu.dma_semaphore, #tpu.memory_space<semaphore_mem>>)
        %dma_wait3A = arith.constant 0 : i32
        %dma_wait3A_112 = tpu.memref_slice %arg4[%add3A_77, %dma_wait3A] : memref<2560x128xi32, #tpu.memory_space<hbm>> -> memref<32x128xi32, #tpu.memory_space<hbm>>
        %dma_wait3A_113 = arith.constant 0 : i32
        %dma_wait3A_114 = tpu.memref_slice %arg4[%add3A_77, %dma_wait3A_113] : memref<2560x128xi32, #tpu.memory_space<hbm>> -> memref<32x128xi32, #tpu.memory_space<hbm>>
        tpu.wait_dma2 semaphore(%run_scoped3A : memref<!tpu.dma_semaphore, #tpu.memory_space<semaphore_mem>>) src(%dma_wait3A_114 : memref<32x128xi32, #tpu.memory_space<hbm>>) dst(%arg7 : memref<32x128xi32, #tpu.memory_space<vmem>>)
        tpu.yield
      }) : () -> ()
      %dma_start3A_78 = arith.constant 0 : i32
      %dma_start3A_79 = arith.constant 0 : i32
      %dma_start3A_80 = tpu.memref_slice %arg6[%dma_start3A_78, %dma_start3A_79] : memref<32x128xi32, #tpu.memory_space<vmem>> -> memref<1x128xi32, #tpu.memory_space<vmem>>
      %dma_start3A_81 = tpu.memref_squeeze %dma_start3A_80 : memref<1x128xi32, #tpu.memory_space<vmem>> -> memref<128xi32, #tpu.memory_space<vmem>>
      %dma_start3A_82 = arith.constant 0 : i32
      %dma_start3A_83 = arith.constant 0 : i32
      %dma_start3A_84 = tpu.memref_slice %arg2[%dma_start3A_82, %dma_start3A_83] : memref<270000x128xf32, #tpu.memory_space<hbm>> -> memref<270000x128xf32, #tpu.memory_space<hbm>>
      tpu.enqueue_indirect_dma source(%dma_start3A_84 : memref<270000x128xf32, #tpu.memory_space<hbm>>) target(%arg8 : memref<128x128xf32, #tpu.memory_space<vmem>>) offsets(%dma_start3A_81 : memref<128xi32, #tpu.memory_space<vmem>>) semaphore(%arg11 : memref<!tpu.dma_semaphore, #tpu.memory_space<semaphore_mem>>)
      %scan3A_85 = arith.constant 0 : i32
      %scan3A_86 = arith.constant 0 : i32
      %scan3A_87 = arith.constant 16 : i32
      %scan3A_88 = arith.addi %scan3A_86, %scan3A_87 : i32
      %scan3A_89 = arith.constant 1 : i32
      scf.for %scan3A_108 = %scan3A_86 to %scan3A_88 step %scan3A_89  : i32 {
        %mul3A_109 = arith.constant 2 : i32
        %mul3A_110 = arith.muli %mul3A_109, %scan3A_108 : i32
        %add3A_111 = arith.constant 0 : i32
        %add3A_112 = arith.addi %mul3A_110, %add3A_111 : i32
        %dma_wait3A = arith.constant 0 : i32
        %dma_wait3A_113 = tpu.memref_slice %arg6[%add3A_112, %dma_wait3A] : memref<32x128xi32, #tpu.memory_space<vmem>> -> memref<1x128xi32, #tpu.memory_space<vmem>>
        %dma_wait3A_114 = tpu.memref_squeeze %dma_wait3A_113 : memref<1x128xi32, #tpu.memory_space<vmem>> -> memref<128xi32, #tpu.memory_space<vmem>>
        %dma_wait3A_115 = arith.constant 0 : i32
        %dma_wait3A_116 = arith.constant 0 : i32
        %dma_wait3A_117 = tpu.memref_slice %arg2[%dma_wait3A_115, %dma_wait3A_116] : memref<270000x128xf32, #tpu.memory_space<hbm>> -> memref<270000x128xf32, #tpu.memory_space<hbm>>
        tpu.wait_indirect_dma semaphore(%arg11 : memref<!tpu.dma_semaphore, #tpu.memory_space<semaphore_mem>>) src(%dma_wait3A_117 : memref<270000x128xf32, #tpu.memory_space<hbm>>) dst(%arg8 : memref<128x128xf32, #tpu.memory_space<vmem>>)
        %add3A_118 = arith.constant 1 : i32
        %add3A_119 = arith.addi %add3A_112, %add3A_118 : i32
        %lt3A = arith.constant 32 : i32
        %lt3A_120 = arith.cmpi slt, %add3A_119, %lt3A : i32
        %convert_element_type3A_121 = arith.extui %lt3A_120 : i1 to i32
        %cond3A_122 = arith.constant 0 : i32
        %cond3A_123 = arith.cmpi ne, %convert_element_type3A_121, %cond3A_122 : i32
        scf.if %cond3A_123 {
          %add3A_141 = arith.constant 1 : i32
          %add3A_142 = arith.addi %add3A_112, %add3A_141 : i32
          %dma_start3A_143 = arith.constant 0 : i32
          %dma_start3A_144 = tpu.memref_slice %arg6[%add3A_142, %dma_start3A_143] : memref<32x128xi32, #tpu.memory_space<vmem>> -> memref<1x128xi32, #tpu.memory_space<vmem>>
          %dma_start3A_145 = tpu.memref_squeeze %dma_start3A_144 : memref<1x128xi32, #tpu.memory_space<vmem>> -> memref<128xi32, #tpu.memory_space<vmem>>
          %dma_start3A_146 = arith.constant 0 : i32
          %dma_start3A_147 = arith.constant 0 : i32
          %dma_start3A_148 = tpu.memref_slice %arg2[%dma_start3A_146, %dma_start3A_147] : memref<270000x128xf32, #tpu.memory_space<hbm>> -> memref<270000x128xf32, #tpu.memory_space<hbm>>
          tpu.enqueue_indirect_dma source(%dma_start3A_148 : memref<270000x128xf32, #tpu.memory_space<hbm>>) target(%arg9 : memref<128x128xf32, #tpu.memory_space<vmem>>) offsets(%dma_start3A_145 : memref<128xi32, #tpu.memory_space<vmem>>) semaphore(%arg12 : memref<!tpu.dma_semaphore, #tpu.memory_space<semaphore_mem>>)
        } else {
        }
        "tpu.region"() ({
          %run_scoped3A = tpu.sem_alloc : memref<!tpu.dma_semaphore, #tpu.memory_space<semaphore_mem>>
          %dma_start3A_141 = arith.constant 0 : i32
          %dma_start3A_142 = tpu.memref_slice %arg7[%add3A_112, %dma_start3A_141] : memref<32x128xi32, #tpu.memory_space<vmem>> -> memref<1x128xi32, #tpu.memory_space<vmem>>
          %dma_start3A_143 = tpu.memref_squeeze %dma_start3A_142 : memref<1x128xi32, #tpu.memory_space<vmem>> -> memref<128xi32, #tpu.memory_space<vmem>>
          %dma_start3A_144 = arith.constant 0 : i32
          %dma_start3A_145 = arith.constant 0 : i32
          %dma_start3A_146 = tpu.memref_slice %arg10[%dma_start3A_144, %dma_start3A_145] : memref<10112x128xf32, #tpu.memory_space<vmem_shared>> -> memref<10112x128xf32, #tpu.memory_space<vmem_shared>>
          tpu.enqueue_indirect_dma source(%arg8 : memref<128x128xf32, #tpu.memory_space<vmem>>) target(%dma_start3A_146 : memref<10112x128xf32, #tpu.memory_space<vmem_shared>>) offsets(%dma_start3A_143 : memref<128xi32, #tpu.memory_space<vmem>>) semaphore(%run_scoped3A : memref<!tpu.dma_semaphore, #tpu.memory_space<semaphore_mem>>) {add = true}
          %dma_wait3A_147 = arith.constant 0 : i32
          %dma_wait3A_148 = tpu.memref_slice %arg7[%add3A_112, %dma_wait3A_147] : memref<32x128xi32, #tpu.memory_space<vmem>> -> memref<1x128xi32, #tpu.memory_space<vmem>>
          %dma_wait3A_149 = tpu.memref_squeeze %dma_wait3A_148 : memref<1x128xi32, #tpu.memory_space<vmem>> -> memref<128xi32, #tpu.memory_space<vmem>>
          %dma_wait3A_150 = arith.constant 0 : i32
          %dma_wait3A_151 = arith.constant 0 : i32
          %dma_wait3A_152 = tpu.memref_slice %arg10[%dma_wait3A_150, %dma_wait3A_151] : memref<10112x128xf32, #tpu.memory_space<vmem_shared>> -> memref<10112x128xf32, #tpu.memory_space<vmem_shared>>
          tpu.wait_indirect_dma semaphore(%run_scoped3A : memref<!tpu.dma_semaphore, #tpu.memory_space<semaphore_mem>>) src(%arg8 : memref<128x128xf32, #tpu.memory_space<vmem>>) dst(%dma_wait3A_152 : memref<10112x128xf32, #tpu.memory_space<vmem_shared>>)
          tpu.yield
        }) : () -> ()
        %mul3A_124 = arith.constant 2 : i32
        %mul3A_125 = arith.muli %mul3A_124, %scan3A_108 : i32
        %add3A_126 = arith.constant 1 : i32
        %add3A_127 = arith.addi %mul3A_125, %add3A_126 : i32
        %dma_wait3A_128 = arith.constant 0 : i32
        %dma_wait3A_129 = tpu.memref_slice %arg6[%add3A_127, %dma_wait3A_128] : memref<32x128xi32, #tpu.memory_space<vmem>> -> memref<1x128xi32, #tpu.memory_space<vmem>>
        %dma_wait3A_130 = tpu.memref_squeeze %dma_wait3A_129 : memref<1x128xi32, #tpu.memory_space<vmem>> -> memref<128xi32, #tpu.memory_space<vmem>>
        %dma_wait3A_131 = arith.constant 0 : i32
        %dma_wait3A_132 = arith.constant 0 : i32
        %dma_wait3A_133 = tpu.memref_slice %arg2[%dma_wait3A_131, %dma_wait3A_132] : memref<270000x128xf32, #tpu.memory_space<hbm>> -> memref<270000x128xf32, #tpu.memory_space<hbm>>
        tpu.wait_indirect_dma semaphore(%arg12 : memref<!tpu.dma_semaphore, #tpu.memory_space<semaphore_mem>>) src(%dma_wait3A_133 : memref<270000x128xf32, #tpu.memory_space<hbm>>) dst(%arg9 : memref<128x128xf32, #tpu.memory_space<vmem>>)
        %add3A_134 = arith.constant 1 : i32
        %add3A_135 = arith.addi %add3A_127, %add3A_134 : i32
        %lt3A_136 = arith.constant 32 : i32
        %lt3A_137 = arith.cmpi slt, %add3A_135, %lt3A_136 : i32
        %convert_element_type3A_138 = arith.extui %lt3A_137 : i1 to i32
        %cond3A_139 = arith.constant 0 : i32
        %cond3A_140 = arith.cmpi ne, %convert_element_type3A_138, %cond3A_139 : i32
        scf.if %cond3A_140 {
          %add3A_141 = arith.constant 1 : i32
          %add3A_142 = arith.addi %add3A_127, %add3A_141 : i32
          %dma_start3A_143 = arith.constant 0 : i32
          %dma_start3A_144 = tpu.memref_slice %arg6[%add3A_142, %dma_start3A_143] : memref<32x128xi32, #tpu.memory_space<vmem>> -> memref<1x128xi32, #tpu.memory_space<vmem>>
          %dma_start3A_145 = tpu.memref_squeeze %dma_start3A_144 : memref<1x128xi32, #tpu.memory_space<vmem>> -> memref<128xi32, #tpu.memory_space<vmem>>
          %dma_start3A_146 = arith.constant 0 : i32
          %dma_start3A_147 = arith.constant 0 : i32
          %dma_start3A_148 = tpu.memref_slice %arg2[%dma_start3A_146, %dma_start3A_147] : memref<270000x128xf32, #tpu.memory_space<hbm>> -> memref<270000x128xf32, #tpu.memory_space<hbm>>
          tpu.enqueue_indirect_dma source(%dma_start3A_148 : memref<270000x128xf32, #tpu.memory_space<hbm>>) target(%arg8 : memref<128x128xf32, #tpu.memory_space<vmem>>) offsets(%dma_start3A_145 : memref<128xi32, #tpu.memory_space<vmem>>) semaphore(%arg11 : memref<!tpu.dma_semaphore, #tpu.memory_space<semaphore_mem>>)
        } else {
        }
        "tpu.region"() ({
          %run_scoped3A = tpu.sem_alloc : memref<!tpu.dma_semaphore, #tpu.memory_space<semaphore_mem>>
          %dma_start3A_141 = arith.constant 0 : i32
          %dma_start3A_142 = tpu.memref_slice %arg7[%add3A_127, %dma_start3A_141] : memref<32x128xi32, #tpu.memory_space<vmem>> -> memref<1x128xi32, #tpu.memory_space<vmem>>
          %dma_start3A_143 = tpu.memref_squeeze %dma_start3A_142 : memref<1x128xi32, #tpu.memory_space<vmem>> -> memref<128xi32, #tpu.memory_space<vmem>>
          %dma_start3A_144 = arith.constant 0 : i32
          %dma_start3A_145 = arith.constant 0 : i32
          %dma_start3A_146 = tpu.memref_slice %arg10[%dma_start3A_144, %dma_start3A_145] : memref<10112x128xf32, #tpu.memory_space<vmem_shared>> -> memref<10112x128xf32, #tpu.memory_space<vmem_shared>>
          tpu.enqueue_indirect_dma source(%arg9 : memref<128x128xf32, #tpu.memory_space<vmem>>) target(%dma_start3A_146 : memref<10112x128xf32, #tpu.memory_space<vmem_shared>>) offsets(%dma_start3A_143 : memref<128xi32, #tpu.memory_space<vmem>>) semaphore(%run_scoped3A : memref<!tpu.dma_semaphore, #tpu.memory_space<semaphore_mem>>) {add = true}
          %dma_wait3A_147 = arith.constant 0 : i32
          %dma_wait3A_148 = tpu.memref_slice %arg7[%add3A_127, %dma_wait3A_147] : memref<32x128xi32, #tpu.memory_space<vmem>> -> memref<1x128xi32, #tpu.memory_space<vmem>>
          %dma_wait3A_149 = tpu.memref_squeeze %dma_wait3A_148 : memref<1x128xi32, #tpu.memory_space<vmem>> -> memref<128xi32, #tpu.memory_space<vmem>>
          %dma_wait3A_150 = arith.constant 0 : i32
          %dma_wait3A_151 = arith.constant 0 : i32
          %dma_wait3A_152 = tpu.memref_slice %arg10[%dma_wait3A_150, %dma_wait3A_151] : memref<10112x128xf32, #tpu.memory_space<vmem_shared>> -> memref<10112x128xf32, #tpu.memory_space<vmem_shared>>
          tpu.wait_indirect_dma semaphore(%run_scoped3A : memref<!tpu.dma_semaphore, #tpu.memory_space<semaphore_mem>>) src(%arg9 : memref<128x128xf32, #tpu.memory_space<vmem>>) dst(%dma_wait3A_152 : memref<10112x128xf32, #tpu.memory_space<vmem_shared>>)
          tpu.yield
        }) : () -> ()
      }
      %scan3A_90 = arith.constant 16 : i32
      %mul3A_91 = arith.constant 128 : i32
      %mul3A_92 = arith.muli %arg1, %mul3A_91 : i32
      %add3A_93 = arith.constant 96 : i32
      %add3A_94 = arith.addi %mul3A_92, %add3A_93 : i32
      "tpu.region"() ({
        %run_scoped3A = tpu.sem_alloc : memref<!tpu.dma_semaphore, #tpu.memory_space<semaphore_mem>>
        %dma_start3A_108 = arith.constant 0 : i32
        %dma_start3A_109 = tpu.memref_slice %arg3[%add3A_94, %dma_start3A_108] : memref<2560x128xi32, #tpu.memory_space<hbm>> -> memref<32x128xi32, #tpu.memory_space<hbm>>
        %dma_start3A_110 = arith.constant 0 : i32
        %dma_start3A_111 = tpu.memref_slice %arg3[%add3A_94, %dma_start3A_110] : memref<2560x128xi32, #tpu.memory_space<hbm>> -> memref<32x128xi32, #tpu.memory_space<hbm>>
        tpu.enqueue_dma source(%dma_start3A_111 : memref<32x128xi32, #tpu.memory_space<hbm>>) target(%arg6 : memref<32x128xi32, #tpu.memory_space<vmem>>) target_semaphore(%run_scoped3A : memref<!tpu.dma_semaphore, #tpu.memory_space<semaphore_mem>>)
        %dma_wait3A = arith.constant 0 : i32
        %dma_wait3A_112 = tpu.memref_slice %arg3[%add3A_94, %dma_wait3A] : memref<2560x128xi32, #tpu.memory_space<hbm>> -> memref<32x128xi32, #tpu.memory_space<hbm>>
        %dma_wait3A_113 = arith.constant 0 : i32
        %dma_wait3A_114 = tpu.memref_slice %arg3[%add3A_94, %dma_wait3A_113] : memref<2560x128xi32, #tpu.memory_space<hbm>> -> memref<32x128xi32, #tpu.memory_space<hbm>>
        tpu.wait_dma2 semaphore(%run_scoped3A : memref<!tpu.dma_semaphore, #tpu.memory_space<semaphore_mem>>) src(%dma_wait3A_114 : memref<32x128xi32, #tpu.memory_space<hbm>>) dst(%arg6 : memref<32x128xi32, #tpu.memory_space<vmem>>)
        tpu.yield
      }) : () -> ()
      "tpu.region"() ({
        %run_scoped3A = tpu.sem_alloc : memref<!tpu.dma_semaphore, #tpu.memory_space<semaphore_mem>>
        %dma_start3A_108 = arith.constant 0 : i32
        %dma_start3A_109 = tpu.memref_slice %arg4[%add3A_94, %dma_start3A_108] : memref<2560x128xi32, #tpu.memory_space<hbm>> -> memref<32x128xi32, #tpu.memory_space<hbm>>
        %dma_start3A_110 = arith.constant 0 : i32
        %dma_start3A_111 = tpu.memref_slice %arg4[%add3A_94, %dma_start3A_110] : memref<2560x128xi32, #tpu.memory_space<hbm>> -> memref<32x128xi32, #tpu.memory_space<hbm>>
        tpu.enqueue_dma source(%dma_start3A_111 : memref<32x128xi32, #tpu.memory_space<hbm>>) target(%arg7 : memref<32x128xi32, #tpu.memory_space<vmem>>) target_semaphore(%run_scoped3A : memref<!tpu.dma_semaphore, #tpu.memory_space<semaphore_mem>>)
        %dma_wait3A = arith.constant 0 : i32
        %dma_wait3A_112 = tpu.memref_slice %arg4[%add3A_94, %dma_wait3A] : memref<2560x128xi32, #tpu.memory_space<hbm>> -> memref<32x128xi32, #tpu.memory_space<hbm>>
        %dma_wait3A_113 = arith.constant 0 : i32
        %dma_wait3A_114 = tpu.memref_slice %arg4[%add3A_94, %dma_wait3A_113] : memref<2560x128xi32, #tpu.memory_space<hbm>> -> memref<32x128xi32, #tpu.memory_space<hbm>>
        tpu.wait_dma2 semaphore(%run_scoped3A : memref<!tpu.dma_semaphore, #tpu.memory_space<semaphore_mem>>) src(%dma_wait3A_114 : memref<32x128xi32, #tpu.memory_space<hbm>>) dst(%arg7 : memref<32x128xi32, #tpu.memory_space<vmem>>)
        tpu.yield
      }) : () -> ()
      %dma_start3A_95 = arith.constant 0 : i32
      %dma_start3A_96 = arith.constant 0 : i32
      %dma_start3A_97 = tpu.memref_slice %arg6[%dma_start3A_95, %dma_start3A_96] : memref<32x128xi32, #tpu.memory_space<vmem>> -> memref<1x128xi32, #tpu.memory_space<vmem>>
      %dma_start3A_98 = tpu.memref_squeeze %dma_start3A_97 : memref<1x128xi32, #tpu.memory_space<vmem>> -> memref<128xi32, #tpu.memory_space<vmem>>
      %dma_start3A_99 = arith.constant 0 : i32
      %dma_start3A_100 = arith.constant 0 : i32
      %dma_start3A_101 = tpu.memref_slice %arg2[%dma_start3A_99, %dma_start3A_100] : memref<270000x128xf32, #tpu.memory_space<hbm>> -> memref<270000x128xf32, #tpu.memory_space<hbm>>
      tpu.enqueue_indirect_dma source(%dma_start3A_101 : memref<270000x128xf32, #tpu.memory_space<hbm>>) target(%arg8 : memref<128x128xf32, #tpu.memory_space<vmem>>) offsets(%dma_start3A_98 : memref<128xi32, #tpu.memory_space<vmem>>) semaphore(%arg11 : memref<!tpu.dma_semaphore, #tpu.memory_space<semaphore_mem>>)
      %scan3A_102 = arith.constant 0 : i32
      %scan3A_103 = arith.constant 0 : i32
      %scan3A_104 = arith.constant 16 : i32
      %scan3A_105 = arith.addi %scan3A_103, %scan3A_104 : i32
      %scan3A_106 = arith.constant 1 : i32
      scf.for %scan3A_108 = %scan3A_103 to %scan3A_105 step %scan3A_106  : i32 {
        %mul3A_109 = arith.constant 2 : i32
        %mul3A_110 = arith.muli %mul3A_109, %scan3A_108 : i32
        %add3A_111 = arith.constant 0 : i32
        %add3A_112 = arith.addi %mul3A_110, %add3A_111 : i32
        %dma_wait3A = arith.constant 0 : i32
        %dma_wait3A_113 = tpu.memref_slice %arg6[%add3A_112, %dma_wait3A] : memref<32x128xi32, #tpu.memory_space<vmem>> -> memref<1x128xi32, #tpu.memory_space<vmem>>
        %dma_wait3A_114 = tpu.memref_squeeze %dma_wait3A_113 : memref<1x128xi32, #tpu.memory_space<vmem>> -> memref<128xi32, #tpu.memory_space<vmem>>
        %dma_wait3A_115 = arith.constant 0 : i32
        %dma_wait3A_116 = arith.constant 0 : i32
        %dma_wait3A_117 = tpu.memref_slice %arg2[%dma_wait3A_115, %dma_wait3A_116] : memref<270000x128xf32, #tpu.memory_space<hbm>> -> memref<270000x128xf32, #tpu.memory_space<hbm>>
        tpu.wait_indirect_dma semaphore(%arg11 : memref<!tpu.dma_semaphore, #tpu.memory_space<semaphore_mem>>) src(%dma_wait3A_117 : memref<270000x128xf32, #tpu.memory_space<hbm>>) dst(%arg8 : memref<128x128xf32, #tpu.memory_space<vmem>>)
        %add3A_118 = arith.constant 1 : i32
        %add3A_119 = arith.addi %add3A_112, %add3A_118 : i32
        %lt3A = arith.constant 32 : i32
        %lt3A_120 = arith.cmpi slt, %add3A_119, %lt3A : i32
        %convert_element_type3A_121 = arith.extui %lt3A_120 : i1 to i32
        %cond3A_122 = arith.constant 0 : i32
        %cond3A_123 = arith.cmpi ne, %convert_element_type3A_121, %cond3A_122 : i32
        scf.if %cond3A_123 {
          %add3A_141 = arith.constant 1 : i32
          %add3A_142 = arith.addi %add3A_112, %add3A_141 : i32
          %dma_start3A_143 = arith.constant 0 : i32
          %dma_start3A_144 = tpu.memref_slice %arg6[%add3A_142, %dma_start3A_143] : memref<32x128xi32, #tpu.memory_space<vmem>> -> memref<1x128xi32, #tpu.memory_space<vmem>>
          %dma_start3A_145 = tpu.memref_squeeze %dma_start3A_144 : memref<1x128xi32, #tpu.memory_space<vmem>> -> memref<128xi32, #tpu.memory_space<vmem>>
          %dma_start3A_146 = arith.constant 0 : i32
          %dma_start3A_147 = arith.constant 0 : i32
          %dma_start3A_148 = tpu.memref_slice %arg2[%dma_start3A_146, %dma_start3A_147] : memref<270000x128xf32, #tpu.memory_space<hbm>> -> memref<270000x128xf32, #tpu.memory_space<hbm>>
          tpu.enqueue_indirect_dma source(%dma_start3A_148 : memref<270000x128xf32, #tpu.memory_space<hbm>>) target(%arg9 : memref<128x128xf32, #tpu.memory_space<vmem>>) offsets(%dma_start3A_145 : memref<128xi32, #tpu.memory_space<vmem>>) semaphore(%arg12 : memref<!tpu.dma_semaphore, #tpu.memory_space<semaphore_mem>>)
        } else {
        }
        "tpu.region"() ({
          %run_scoped3A = tpu.sem_alloc : memref<!tpu.dma_semaphore, #tpu.memory_space<semaphore_mem>>
          %dma_start3A_141 = arith.constant 0 : i32
          %dma_start3A_142 = tpu.memref_slice %arg7[%add3A_112, %dma_start3A_141] : memref<32x128xi32, #tpu.memory_space<vmem>> -> memref<1x128xi32, #tpu.memory_space<vmem>>
          %dma_start3A_143 = tpu.memref_squeeze %dma_start3A_142 : memref<1x128xi32, #tpu.memory_space<vmem>> -> memref<128xi32, #tpu.memory_space<vmem>>
          %dma_start3A_144 = arith.constant 0 : i32
          %dma_start3A_145 = arith.constant 0 : i32
          %dma_start3A_146 = tpu.memref_slice %arg10[%dma_start3A_144, %dma_start3A_145] : memref<10112x128xf32, #tpu.memory_space<vmem_shared>> -> memref<10112x128xf32, #tpu.memory_space<vmem_shared>>
          tpu.enqueue_indirect_dma source(%arg8 : memref<128x128xf32, #tpu.memory_space<vmem>>) target(%dma_start3A_146 : memref<10112x128xf32, #tpu.memory_space<vmem_shared>>) offsets(%dma_start3A_143 : memref<128xi32, #tpu.memory_space<vmem>>) semaphore(%run_scoped3A : memref<!tpu.dma_semaphore, #tpu.memory_space<semaphore_mem>>) {add = true}
          %dma_wait3A_147 = arith.constant 0 : i32
          %dma_wait3A_148 = tpu.memref_slice %arg7[%add3A_112, %dma_wait3A_147] : memref<32x128xi32, #tpu.memory_space<vmem>> -> memref<1x128xi32, #tpu.memory_space<vmem>>
          %dma_wait3A_149 = tpu.memref_squeeze %dma_wait3A_148 : memref<1x128xi32, #tpu.memory_space<vmem>> -> memref<128xi32, #tpu.memory_space<vmem>>
          %dma_wait3A_150 = arith.constant 0 : i32
          %dma_wait3A_151 = arith.constant 0 : i32
          %dma_wait3A_152 = tpu.memref_slice %arg10[%dma_wait3A_150, %dma_wait3A_151] : memref<10112x128xf32, #tpu.memory_space<vmem_shared>> -> memref<10112x128xf32, #tpu.memory_space<vmem_shared>>
          tpu.wait_indirect_dma semaphore(%run_scoped3A : memref<!tpu.dma_semaphore, #tpu.memory_space<semaphore_mem>>) src(%arg8 : memref<128x128xf32, #tpu.memory_space<vmem>>) dst(%dma_wait3A_152 : memref<10112x128xf32, #tpu.memory_space<vmem_shared>>)
          tpu.yield
        }) : () -> ()
        %mul3A_124 = arith.constant 2 : i32
        %mul3A_125 = arith.muli %mul3A_124, %scan3A_108 : i32
        %add3A_126 = arith.constant 1 : i32
        %add3A_127 = arith.addi %mul3A_125, %add3A_126 : i32
        %dma_wait3A_128 = arith.constant 0 : i32
        %dma_wait3A_129 = tpu.memref_slice %arg6[%add3A_127, %dma_wait3A_128] : memref<32x128xi32, #tpu.memory_space<vmem>> -> memref<1x128xi32, #tpu.memory_space<vmem>>
        %dma_wait3A_130 = tpu.memref_squeeze %dma_wait3A_129 : memref<1x128xi32, #tpu.memory_space<vmem>> -> memref<128xi32, #tpu.memory_space<vmem>>
        %dma_wait3A_131 = arith.constant 0 : i32
        %dma_wait3A_132 = arith.constant 0 : i32
        %dma_wait3A_133 = tpu.memref_slice %arg2[%dma_wait3A_131, %dma_wait3A_132] : memref<270000x128xf32, #tpu.memory_space<hbm>> -> memref<270000x128xf32, #tpu.memory_space<hbm>>
        tpu.wait_indirect_dma semaphore(%arg12 : memref<!tpu.dma_semaphore, #tpu.memory_space<semaphore_mem>>) src(%dma_wait3A_133 : memref<270000x128xf32, #tpu.memory_space<hbm>>) dst(%arg9 : memref<128x128xf32, #tpu.memory_space<vmem>>)
        %add3A_134 = arith.constant 1 : i32
        %add3A_135 = arith.addi %add3A_127, %add3A_134 : i32
        %lt3A_136 = arith.constant 32 : i32
        %lt3A_137 = arith.cmpi slt, %add3A_135, %lt3A_136 : i32
        %convert_element_type3A_138 = arith.extui %lt3A_137 : i1 to i32
        %cond3A_139 = arith.constant 0 : i32
        %cond3A_140 = arith.cmpi ne, %convert_element_type3A_138, %cond3A_139 : i32
        scf.if %cond3A_140 {
          %add3A_141 = arith.constant 1 : i32
          %add3A_142 = arith.addi %add3A_127, %add3A_141 : i32
          %dma_start3A_143 = arith.constant 0 : i32
          %dma_start3A_144 = tpu.memref_slice %arg6[%add3A_142, %dma_start3A_143] : memref<32x128xi32, #tpu.memory_space<vmem>> -> memref<1x128xi32, #tpu.memory_space<vmem>>
          %dma_start3A_145 = tpu.memref_squeeze %dma_start3A_144 : memref<1x128xi32, #tpu.memory_space<vmem>> -> memref<128xi32, #tpu.memory_space<vmem>>
          %dma_start3A_146 = arith.constant 0 : i32
          %dma_start3A_147 = arith.constant 0 : i32
          %dma_start3A_148 = tpu.memref_slice %arg2[%dma_start3A_146, %dma_start3A_147] : memref<270000x128xf32, #tpu.memory_space<hbm>> -> memref<270000x128xf32, #tpu.memory_space<hbm>>
          tpu.enqueue_indirect_dma source(%dma_start3A_148 : memref<270000x128xf32, #tpu.memory_space<hbm>>) target(%arg8 : memref<128x128xf32, #tpu.memory_space<vmem>>) offsets(%dma_start3A_145 : memref<128xi32, #tpu.memory_space<vmem>>) semaphore(%arg11 : memref<!tpu.dma_semaphore, #tpu.memory_space<semaphore_mem>>)
        } else {
        }
        "tpu.region"() ({
          %run_scoped3A = tpu.sem_alloc : memref<!tpu.dma_semaphore, #tpu.memory_space<semaphore_mem>>
          %dma_start3A_141 = arith.constant 0 : i32
          %dma_start3A_142 = tpu.memref_slice %arg7[%add3A_127, %dma_start3A_141] : memref<32x128xi32, #tpu.memory_space<vmem>> -> memref<1x128xi32, #tpu.memory_space<vmem>>
          %dma_start3A_143 = tpu.memref_squeeze %dma_start3A_142 : memref<1x128xi32, #tpu.memory_space<vmem>> -> memref<128xi32, #tpu.memory_space<vmem>>
          %dma_start3A_144 = arith.constant 0 : i32
          %dma_start3A_145 = arith.constant 0 : i32
          %dma_start3A_146 = tpu.memref_slice %arg10[%dma_start3A_144, %dma_start3A_145] : memref<10112x128xf32, #tpu.memory_space<vmem_shared>> -> memref<10112x128xf32, #tpu.memory_space<vmem_shared>>
          tpu.enqueue_indirect_dma source(%arg9 : memref<128x128xf32, #tpu.memory_space<vmem>>) target(%dma_start3A_146 : memref<10112x128xf32, #tpu.memory_space<vmem_shared>>) offsets(%dma_start3A_143 : memref<128xi32, #tpu.memory_space<vmem>>) semaphore(%run_scoped3A : memref<!tpu.dma_semaphore, #tpu.memory_space<semaphore_mem>>) {add = true}
          %dma_wait3A_147 = arith.constant 0 : i32
          %dma_wait3A_148 = tpu.memref_slice %arg7[%add3A_127, %dma_wait3A_147] : memref<32x128xi32, #tpu.memory_space<vmem>> -> memref<1x128xi32, #tpu.memory_space<vmem>>
          %dma_wait3A_149 = tpu.memref_squeeze %dma_wait3A_148 : memref<1x128xi32, #tpu.memory_space<vmem>> -> memref<128xi32, #tpu.memory_space<vmem>>
          %dma_wait3A_150 = arith.constant 0 : i32
          %dma_wait3A_151 = arith.constant 0 : i32
          %dma_wait3A_152 = tpu.memref_slice %arg10[%dma_wait3A_150, %dma_wait3A_151] : memref<10112x128xf32, #tpu.memory_space<vmem_shared>> -> memref<10112x128xf32, #tpu.memory_space<vmem_shared>>
          tpu.wait_indirect_dma semaphore(%run_scoped3A : memref<!tpu.dma_semaphore, #tpu.memory_space<semaphore_mem>>) src(%arg9 : memref<128x128xf32, #tpu.memory_space<vmem>>) dst(%dma_wait3A_152 : memref<10112x128xf32, #tpu.memory_space<vmem_shared>>)
          tpu.yield
        }) : () -> ()
      }
      %scan3A_107 = arith.constant 16 : i32
    } else {
    }
    %eq3A_25 = arith.constant 1 : i32
    %eq3A_26 = arith.cmpi eq, %arg0, %eq3A_25 : i32
    %convert_element_type3A_27 = arith.extui %eq3A_26 : i1 to i32
    %cond3A_28 = arith.constant 0 : i32
    %cond3A_29 = arith.cmpi ne, %convert_element_type3A_27, %cond3A_28 : i32
    scf.if %cond3A_29 {
      %mul3A_41 = arith.constant 32 : i32
      %mul3A_42 = arith.muli %arg1, %mul3A_41 : i32
      %add3A_43 = arith.constant 2048 : i32
      %add3A_44 = arith.addi %add3A_43, %mul3A_42 : i32
      %add3A_45 = arith.constant 0 : i32
      %add3A_46 = arith.addi %add3A_44, %add3A_45 : i32
      "tpu.region"() ({
        %run_scoped3A = tpu.sem_alloc : memref<!tpu.dma_semaphore, #tpu.memory_space<semaphore_mem>>
        %dma_start3A_59 = arith.constant 0 : i32
        %dma_start3A_60 = tpu.memref_slice %arg3[%add3A_46, %dma_start3A_59] : memref<2560x128xi32, #tpu.memory_space<hbm>> -> memref<32x128xi32, #tpu.memory_space<hbm>>
        %dma_start3A_61 = arith.constant 0 : i32
        %dma_start3A_62 = tpu.memref_slice %arg3[%add3A_46, %dma_start3A_61] : memref<2560x128xi32, #tpu.memory_space<hbm>> -> memref<32x128xi32, #tpu.memory_space<hbm>>
        tpu.enqueue_dma source(%dma_start3A_62 : memref<32x128xi32, #tpu.memory_space<hbm>>) target(%arg6 : memref<32x128xi32, #tpu.memory_space<vmem>>) target_semaphore(%run_scoped3A : memref<!tpu.dma_semaphore, #tpu.memory_space<semaphore_mem>>)
        %dma_wait3A = arith.constant 0 : i32
        %dma_wait3A_63 = tpu.memref_slice %arg3[%add3A_46, %dma_wait3A] : memref<2560x128xi32, #tpu.memory_space<hbm>> -> memref<32x128xi32, #tpu.memory_space<hbm>>
        %dma_wait3A_64 = arith.constant 0 : i32
        %dma_wait3A_65 = tpu.memref_slice %arg3[%add3A_46, %dma_wait3A_64] : memref<2560x128xi32, #tpu.memory_space<hbm>> -> memref<32x128xi32, #tpu.memory_space<hbm>>
        tpu.wait_dma2 semaphore(%run_scoped3A : memref<!tpu.dma_semaphore, #tpu.memory_space<semaphore_mem>>) src(%dma_wait3A_65 : memref<32x128xi32, #tpu.memory_space<hbm>>) dst(%arg6 : memref<32x128xi32, #tpu.memory_space<vmem>>)
        tpu.yield
      }) : () -> ()
      "tpu.region"() ({
        %run_scoped3A = tpu.sem_alloc : memref<!tpu.dma_semaphore, #tpu.memory_space<semaphore_mem>>
        %dma_start3A_59 = arith.constant 0 : i32
        %dma_start3A_60 = tpu.memref_slice %arg4[%add3A_46, %dma_start3A_59] : memref<2560x128xi32, #tpu.memory_space<hbm>> -> memref<32x128xi32, #tpu.memory_space<hbm>>
        %dma_start3A_61 = arith.constant 0 : i32
        %dma_start3A_62 = tpu.memref_slice %arg4[%add3A_46, %dma_start3A_61] : memref<2560x128xi32, #tpu.memory_space<hbm>> -> memref<32x128xi32, #tpu.memory_space<hbm>>
        tpu.enqueue_dma source(%dma_start3A_62 : memref<32x128xi32, #tpu.memory_space<hbm>>) target(%arg7 : memref<32x128xi32, #tpu.memory_space<vmem>>) target_semaphore(%run_scoped3A : memref<!tpu.dma_semaphore, #tpu.memory_space<semaphore_mem>>)
        %dma_wait3A = arith.constant 0 : i32
        %dma_wait3A_63 = tpu.memref_slice %arg4[%add3A_46, %dma_wait3A] : memref<2560x128xi32, #tpu.memory_space<hbm>> -> memref<32x128xi32, #tpu.memory_space<hbm>>
        %dma_wait3A_64 = arith.constant 0 : i32
        %dma_wait3A_65 = tpu.memref_slice %arg4[%add3A_46, %dma_wait3A_64] : memref<2560x128xi32, #tpu.memory_space<hbm>> -> memref<32x128xi32, #tpu.memory_space<hbm>>
        tpu.wait_dma2 semaphore(%run_scoped3A : memref<!tpu.dma_semaphore, #tpu.memory_space<semaphore_mem>>) src(%dma_wait3A_65 : memref<32x128xi32, #tpu.memory_space<hbm>>) dst(%arg7 : memref<32x128xi32, #tpu.memory_space<vmem>>)
        tpu.yield
      }) : () -> ()
      %dma_start3A = arith.constant 0 : i32
      %dma_start3A_47 = arith.constant 0 : i32
      %dma_start3A_48 = tpu.memref_slice %arg6[%dma_start3A, %dma_start3A_47] : memref<32x128xi32, #tpu.memory_space<vmem>> -> memref<1x128xi32, #tpu.memory_space<vmem>>
      %dma_start3A_49 = tpu.memref_squeeze %dma_start3A_48 : memref<1x128xi32, #tpu.memory_space<vmem>> -> memref<128xi32, #tpu.memory_space<vmem>>
      %dma_start3A_50 = arith.constant 0 : i32
      %dma_start3A_51 = arith.constant 0 : i32
      %dma_start3A_52 = tpu.memref_slice %arg2[%dma_start3A_50, %dma_start3A_51] : memref<270000x128xf32, #tpu.memory_space<hbm>> -> memref<270000x128xf32, #tpu.memory_space<hbm>>
      tpu.enqueue_indirect_dma source(%dma_start3A_52 : memref<270000x128xf32, #tpu.memory_space<hbm>>) target(%arg8 : memref<128x128xf32, #tpu.memory_space<vmem>>) offsets(%dma_start3A_49 : memref<128xi32, #tpu.memory_space<vmem>>) semaphore(%arg11 : memref<!tpu.dma_semaphore, #tpu.memory_space<semaphore_mem>>)
      %scan3A_53 = arith.constant 0 : i32
      %scan3A_54 = arith.constant 0 : i32
      %scan3A_55 = arith.constant 16 : i32
      %scan3A_56 = arith.addi %scan3A_54, %scan3A_55 : i32
      %scan3A_57 = arith.constant 1 : i32
      scf.for %scan3A_59 = %scan3A_54 to %scan3A_56 step %scan3A_57  : i32 {
        %mul3A_60 = arith.constant 2 : i32
        %mul3A_61 = arith.muli %mul3A_60, %scan3A_59 : i32
        %add3A_62 = arith.constant 0 : i32
        %add3A_63 = arith.addi %mul3A_61, %add3A_62 : i32
        %dma_wait3A = arith.constant 0 : i32
        %dma_wait3A_64 = tpu.memref_slice %arg6[%add3A_63, %dma_wait3A] : memref<32x128xi32, #tpu.memory_space<vmem>> -> memref<1x128xi32, #tpu.memory_space<vmem>>
        %dma_wait3A_65 = tpu.memref_squeeze %dma_wait3A_64 : memref<1x128xi32, #tpu.memory_space<vmem>> -> memref<128xi32, #tpu.memory_space<vmem>>
        %dma_wait3A_66 = arith.constant 0 : i32
        %dma_wait3A_67 = arith.constant 0 : i32
        %dma_wait3A_68 = tpu.memref_slice %arg2[%dma_wait3A_66, %dma_wait3A_67] : memref<270000x128xf32, #tpu.memory_space<hbm>> -> memref<270000x128xf32, #tpu.memory_space<hbm>>
        tpu.wait_indirect_dma semaphore(%arg11 : memref<!tpu.dma_semaphore, #tpu.memory_space<semaphore_mem>>) src(%dma_wait3A_68 : memref<270000x128xf32, #tpu.memory_space<hbm>>) dst(%arg8 : memref<128x128xf32, #tpu.memory_space<vmem>>)
        %add3A_69 = arith.constant 1 : i32
        %add3A_70 = arith.addi %add3A_63, %add3A_69 : i32
        %lt3A = arith.constant 32 : i32
        %lt3A_71 = arith.cmpi slt, %add3A_70, %lt3A : i32
        %convert_element_type3A_72 = arith.extui %lt3A_71 : i1 to i32
        %cond3A_73 = arith.constant 0 : i32
        %cond3A_74 = arith.cmpi ne, %convert_element_type3A_72, %cond3A_73 : i32
        scf.if %cond3A_74 {
          %add3A_92 = arith.constant 1 : i32
          %add3A_93 = arith.addi %add3A_63, %add3A_92 : i32
          %dma_start3A_94 = arith.constant 0 : i32
          %dma_start3A_95 = tpu.memref_slice %arg6[%add3A_93, %dma_start3A_94] : memref<32x128xi32, #tpu.memory_space<vmem>> -> memref<1x128xi32, #tpu.memory_space<vmem>>
          %dma_start3A_96 = tpu.memref_squeeze %dma_start3A_95 : memref<1x128xi32, #tpu.memory_space<vmem>> -> memref<128xi32, #tpu.memory_space<vmem>>
          %dma_start3A_97 = arith.constant 0 : i32
          %dma_start3A_98 = arith.constant 0 : i32
          %dma_start3A_99 = tpu.memref_slice %arg2[%dma_start3A_97, %dma_start3A_98] : memref<270000x128xf32, #tpu.memory_space<hbm>> -> memref<270000x128xf32, #tpu.memory_space<hbm>>
          tpu.enqueue_indirect_dma source(%dma_start3A_99 : memref<270000x128xf32, #tpu.memory_space<hbm>>) target(%arg9 : memref<128x128xf32, #tpu.memory_space<vmem>>) offsets(%dma_start3A_96 : memref<128xi32, #tpu.memory_space<vmem>>) semaphore(%arg12 : memref<!tpu.dma_semaphore, #tpu.memory_space<semaphore_mem>>)
        } else {
        }
        "tpu.region"() ({
          %run_scoped3A = tpu.sem_alloc : memref<!tpu.dma_semaphore, #tpu.memory_space<semaphore_mem>>
          %dma_start3A_92 = arith.constant 0 : i32
          %dma_start3A_93 = tpu.memref_slice %arg7[%add3A_63, %dma_start3A_92] : memref<32x128xi32, #tpu.memory_space<vmem>> -> memref<1x128xi32, #tpu.memory_space<vmem>>
          %dma_start3A_94 = tpu.memref_squeeze %dma_start3A_93 : memref<1x128xi32, #tpu.memory_space<vmem>> -> memref<128xi32, #tpu.memory_space<vmem>>
          %dma_start3A_95 = arith.constant 0 : i32
          %dma_start3A_96 = arith.constant 0 : i32
          %dma_start3A_97 = tpu.memref_slice %arg10[%dma_start3A_95, %dma_start3A_96] : memref<10112x128xf32, #tpu.memory_space<vmem_shared>> -> memref<10112x128xf32, #tpu.memory_space<vmem_shared>>
          tpu.enqueue_indirect_dma source(%arg8 : memref<128x128xf32, #tpu.memory_space<vmem>>) target(%dma_start3A_97 : memref<10112x128xf32, #tpu.memory_space<vmem_shared>>) offsets(%dma_start3A_94 : memref<128xi32, #tpu.memory_space<vmem>>) semaphore(%run_scoped3A : memref<!tpu.dma_semaphore, #tpu.memory_space<semaphore_mem>>) {add = true}
          %dma_wait3A_98 = arith.constant 0 : i32
          %dma_wait3A_99 = tpu.memref_slice %arg7[%add3A_63, %dma_wait3A_98] : memref<32x128xi32, #tpu.memory_space<vmem>> -> memref<1x128xi32, #tpu.memory_space<vmem>>
          %dma_wait3A_100 = tpu.memref_squeeze %dma_wait3A_99 : memref<1x128xi32, #tpu.memory_space<vmem>> -> memref<128xi32, #tpu.memory_space<vmem>>
          %dma_wait3A_101 = arith.constant 0 : i32
          %dma_wait3A_102 = arith.constant 0 : i32
          %dma_wait3A_103 = tpu.memref_slice %arg10[%dma_wait3A_101, %dma_wait3A_102] : memref<10112x128xf32, #tpu.memory_space<vmem_shared>> -> memref<10112x128xf32, #tpu.memory_space<vmem_shared>>
          tpu.wait_indirect_dma semaphore(%run_scoped3A : memref<!tpu.dma_semaphore, #tpu.memory_space<semaphore_mem>>) src(%arg8 : memref<128x128xf32, #tpu.memory_space<vmem>>) dst(%dma_wait3A_103 : memref<10112x128xf32, #tpu.memory_space<vmem_shared>>)
          tpu.yield
        }) : () -> ()
        %mul3A_75 = arith.constant 2 : i32
        %mul3A_76 = arith.muli %mul3A_75, %scan3A_59 : i32
        %add3A_77 = arith.constant 1 : i32
        %add3A_78 = arith.addi %mul3A_76, %add3A_77 : i32
        %dma_wait3A_79 = arith.constant 0 : i32
        %dma_wait3A_80 = tpu.memref_slice %arg6[%add3A_78, %dma_wait3A_79] : memref<32x128xi32, #tpu.memory_space<vmem>> -> memref<1x128xi32, #tpu.memory_space<vmem>>
        %dma_wait3A_81 = tpu.memref_squeeze %dma_wait3A_80 : memref<1x128xi32, #tpu.memory_space<vmem>> -> memref<128xi32, #tpu.memory_space<vmem>>
        %dma_wait3A_82 = arith.constant 0 : i32
        %dma_wait3A_83 = arith.constant 0 : i32
        %dma_wait3A_84 = tpu.memref_slice %arg2[%dma_wait3A_82, %dma_wait3A_83] : memref<270000x128xf32, #tpu.memory_space<hbm>> -> memref<270000x128xf32, #tpu.memory_space<hbm>>
        tpu.wait_indirect_dma semaphore(%arg12 : memref<!tpu.dma_semaphore, #tpu.memory_space<semaphore_mem>>) src(%dma_wait3A_84 : memref<270000x128xf32, #tpu.memory_space<hbm>>) dst(%arg9 : memref<128x128xf32, #tpu.memory_space<vmem>>)
        %add3A_85 = arith.constant 1 : i32
        %add3A_86 = arith.addi %add3A_78, %add3A_85 : i32
        %lt3A_87 = arith.constant 32 : i32
        %lt3A_88 = arith.cmpi slt, %add3A_86, %lt3A_87 : i32
        %convert_element_type3A_89 = arith.extui %lt3A_88 : i1 to i32
        %cond3A_90 = arith.constant 0 : i32
        %cond3A_91 = arith.cmpi ne, %convert_element_type3A_89, %cond3A_90 : i32
        scf.if %cond3A_91 {
          %add3A_92 = arith.constant 1 : i32
          %add3A_93 = arith.addi %add3A_78, %add3A_92 : i32
          %dma_start3A_94 = arith.constant 0 : i32
          %dma_start3A_95 = tpu.memref_slice %arg6[%add3A_93, %dma_start3A_94] : memref<32x128xi32, #tpu.memory_space<vmem>> -> memref<1x128xi32, #tpu.memory_space<vmem>>
          %dma_start3A_96 = tpu.memref_squeeze %dma_start3A_95 : memref<1x128xi32, #tpu.memory_space<vmem>> -> memref<128xi32, #tpu.memory_space<vmem>>
          %dma_start3A_97 = arith.constant 0 : i32
          %dma_start3A_98 = arith.constant 0 : i32
          %dma_start3A_99 = tpu.memref_slice %arg2[%dma_start3A_97, %dma_start3A_98] : memref<270000x128xf32, #tpu.memory_space<hbm>> -> memref<270000x128xf32, #tpu.memory_space<hbm>>
          tpu.enqueue_indirect_dma source(%dma_start3A_99 : memref<270000x128xf32, #tpu.memory_space<hbm>>) target(%arg8 : memref<128x128xf32, #tpu.memory_space<vmem>>) offsets(%dma_start3A_96 : memref<128xi32, #tpu.memory_space<vmem>>) semaphore(%arg11 : memref<!tpu.dma_semaphore, #tpu.memory_space<semaphore_mem>>)
        } else {
        }
        "tpu.region"() ({
          %run_scoped3A = tpu.sem_alloc : memref<!tpu.dma_semaphore, #tpu.memory_space<semaphore_mem>>
          %dma_start3A_92 = arith.constant 0 : i32
          %dma_start3A_93 = tpu.memref_slice %arg7[%add3A_78, %dma_start3A_92] : memref<32x128xi32, #tpu.memory_space<vmem>> -> memref<1x128xi32, #tpu.memory_space<vmem>>
          %dma_start3A_94 = tpu.memref_squeeze %dma_start3A_93 : memref<1x128xi32, #tpu.memory_space<vmem>> -> memref<128xi32, #tpu.memory_space<vmem>>
          %dma_start3A_95 = arith.constant 0 : i32
          %dma_start3A_96 = arith.constant 0 : i32
          %dma_start3A_97 = tpu.memref_slice %arg10[%dma_start3A_95, %dma_start3A_96] : memref<10112x128xf32, #tpu.memory_space<vmem_shared>> -> memref<10112x128xf32, #tpu.memory_space<vmem_shared>>
          tpu.enqueue_indirect_dma source(%arg9 : memref<128x128xf32, #tpu.memory_space<vmem>>) target(%dma_start3A_97 : memref<10112x128xf32, #tpu.memory_space<vmem_shared>>) offsets(%dma_start3A_94 : memref<128xi32, #tpu.memory_space<vmem>>) semaphore(%run_scoped3A : memref<!tpu.dma_semaphore, #tpu.memory_space<semaphore_mem>>) {add = true}
          %dma_wait3A_98 = arith.constant 0 : i32
          %dma_wait3A_99 = tpu.memref_slice %arg7[%add3A_78, %dma_wait3A_98] : memref<32x128xi32, #tpu.memory_space<vmem>> -> memref<1x128xi32, #tpu.memory_space<vmem>>
          %dma_wait3A_100 = tpu.memref_squeeze %dma_wait3A_99 : memref<1x128xi32, #tpu.memory_space<vmem>> -> memref<128xi32, #tpu.memory_space<vmem>>
          %dma_wait3A_101 = arith.constant 0 : i32
          %dma_wait3A_102 = arith.constant 0 : i32
          %dma_wait3A_103 = tpu.memref_slice %arg10[%dma_wait3A_101, %dma_wait3A_102] : memref<10112x128xf32, #tpu.memory_space<vmem_shared>> -> memref<10112x128xf32, #tpu.memory_space<vmem_shared>>
          tpu.wait_indirect_dma semaphore(%run_scoped3A : memref<!tpu.dma_semaphore, #tpu.memory_space<semaphore_mem>>) src(%arg9 : memref<128x128xf32, #tpu.memory_space<vmem>>) dst(%dma_wait3A_103 : memref<10112x128xf32, #tpu.memory_space<vmem_shared>>)
          tpu.yield
        }) : () -> ()
      }
      %scan3A_58 = arith.constant 16 : i32
    } else {
    }
    %barrier3A_30 = arith.constant 0 : index
    tpu.barrier barrier_id(%barrier3A_30)
    %eq3A_31 = arith.constant 0 : i32
    %eq3A_32 = arith.cmpi eq, %arg0, %eq3A_31 : i32
    %convert_element_type3A_33 = arith.extui %eq3A_32 : i1 to i32
    %cond3A_34 = arith.constant 0 : i32
    %cond3A_35 = arith.cmpi ne, %convert_element_type3A_33, %cond3A_34 : i32
    scf.if %cond3A_35 {
      %mul3A_41 = arith.constant 632 : i32
      %mul3A_42 = arith.muli %arg1, %mul3A_41 : i32
      %mul3A_43 = arith.constant 632 : i32
      %mul3A_44 = arith.muli %arg1, %mul3A_43 : i32
      %run_scoped3A = arith.constant 0 : i32
      "tpu.region"() ({
        %run_scoped3A_45 = tpu.sem_alloc : memref<!tpu.dma_semaphore, #tpu.memory_space<semaphore_mem>>
        %dma_start3A = arith.constant 0 : i32
        %dma_start3A_46 = tpu.memref_slice %arg5[%run_scoped3A, %mul3A_44, %dma_start3A] : memref<2x10112x128xf32, #tpu.memory_space<hbm>> -> memref<1x632x128xf32, #tpu.memory_space<hbm>>
        %dma_start3A_47 = tpu.memref_squeeze %dma_start3A_46 : memref<1x632x128xf32, #tpu.memory_space<hbm>> -> memref<632x128xf32, #tpu.memory_space<hbm>>
        %dma_start3A_48 = arith.constant 0 : i32
        %dma_start3A_49 = tpu.memref_slice %arg10[%mul3A_42, %dma_start3A_48] : memref<10112x128xf32, #tpu.memory_space<vmem_shared>> -> memref<632x128xf32, #tpu.memory_space<vmem_shared>>
        tpu.enqueue_dma source(%dma_start3A_49 : memref<632x128xf32, #tpu.memory_space<vmem_shared>>) target(%dma_start3A_47 : memref<632x128xf32, #tpu.memory_space<hbm>>) target_semaphore(%run_scoped3A_45 : memref<!tpu.dma_semaphore, #tpu.memory_space<semaphore_mem>>)
        %dma_wait3A = arith.constant 0 : i32
        %dma_wait3A_50 = tpu.memref_slice %arg5[%run_scoped3A, %mul3A_44, %dma_wait3A] : memref<2x10112x128xf32, #tpu.memory_space<hbm>> -> memref<1x632x128xf32, #tpu.memory_space<hbm>>
        %dma_wait3A_51 = tpu.memref_squeeze %dma_wait3A_50 : memref<1x632x128xf32, #tpu.memory_space<hbm>> -> memref<632x128xf32, #tpu.memory_space<hbm>>
        %dma_wait3A_52 = arith.constant 0 : i32
        %dma_wait3A_53 = tpu.memref_slice %arg10[%mul3A_42, %dma_wait3A_52] : memref<10112x128xf32, #tpu.memory_space<vmem_shared>> -> memref<632x128xf32, #tpu.memory_space<vmem_shared>>
        tpu.wait_dma2 semaphore(%run_scoped3A_45 : memref<!tpu.dma_semaphore, #tpu.memory_space<semaphore_mem>>) src(%dma_wait3A_53 : memref<632x128xf32, #tpu.memory_space<vmem_shared>>) dst(%dma_wait3A_51 : memref<632x128xf32, #tpu.memory_space<hbm>>)
        tpu.yield
      }) : () -> ()
    } else {
    }
    %eq3A_36 = arith.constant 1 : i32
    %eq3A_37 = arith.cmpi eq, %arg0, %eq3A_36 : i32
    %convert_element_type3A_38 = arith.extui %eq3A_37 : i1 to i32
    %cond3A_39 = arith.constant 0 : i32
    %cond3A_40 = arith.cmpi ne, %convert_element_type3A_38, %cond3A_39 : i32
    scf.if %cond3A_40 {
      %mul3A_41 = arith.constant 160 : i32
      %mul3A_42 = arith.muli %arg1, %mul3A_41 : i32
      %mul3A_43 = arith.constant 160 : i32
      %mul3A_44 = arith.muli %arg1, %mul3A_43 : i32
      %run_scoped3A = arith.constant 1 : i32
      "tpu.region"() ({
        %run_scoped3A_45 = tpu.sem_alloc : memref<!tpu.dma_semaphore, #tpu.memory_space<semaphore_mem>>
        %dma_start3A = arith.constant 0 : i32
        %dma_start3A_46 = tpu.memref_slice %arg5[%run_scoped3A, %mul3A_44, %dma_start3A] : memref<2x10112x128xf32, #tpu.memory_space<hbm>> -> memref<1x160x128xf32, #tpu.memory_space<hbm>>
        %dma_start3A_47 = tpu.memref_squeeze %dma_start3A_46 : memref<1x160x128xf32, #tpu.memory_space<hbm>> -> memref<160x128xf32, #tpu.memory_space<hbm>>
        %dma_start3A_48 = arith.constant 0 : i32
        %dma_start3A_49 = tpu.memref_slice %arg10[%mul3A_42, %dma_start3A_48] : memref<10112x128xf32, #tpu.memory_space<vmem_shared>> -> memref<160x128xf32, #tpu.memory_space<vmem_shared>>
        tpu.enqueue_dma source(%dma_start3A_49 : memref<160x128xf32, #tpu.memory_space<vmem_shared>>) target(%dma_start3A_47 : memref<160x128xf32, #tpu.memory_space<hbm>>) target_semaphore(%run_scoped3A_45 : memref<!tpu.dma_semaphore, #tpu.memory_space<semaphore_mem>>)
        %dma_wait3A = arith.constant 0 : i32
        %dma_wait3A_50 = tpu.memref_slice %arg5[%run_scoped3A, %mul3A_44, %dma_wait3A] : memref<2x10112x128xf32, #tpu.memory_space<hbm>> -> memref<1x160x128xf32, #tpu.memory_space<hbm>>
        %dma_wait3A_51 = tpu.memref_squeeze %dma_wait3A_50 : memref<1x160x128xf32, #tpu.memory_space<hbm>> -> memref<160x128xf32, #tpu.memory_space<hbm>>
        %dma_wait3A_52 = arith.constant 0 : i32
        %dma_wait3A_53 = tpu.memref_slice %arg10[%mul3A_42, %dma_wait3A_52] : memref<10112x128xf32, #tpu.memory_space<vmem_shared>> -> memref<160x128xf32, #tpu.memory_space<vmem_shared>>
        tpu.wait_dma2 semaphore(%run_scoped3A_45 : memref<!tpu.dma_semaphore, #tpu.memory_space<semaphore_mem>>) src(%dma_wait3A_53 : memref<160x128xf32, #tpu.memory_space<vmem_shared>>) dst(%dma_wait3A_51 : memref<160x128xf32, #tpu.memory_space<hbm>>)
        tpu.yield
      }) : () -> ()
    } else {
    }
    return
  }
}

module attributes {stable_mosaic.version = 14 : i64} {
  func.func @_mm_body(%arg0: i32, %arg1: memref<1000x128xf32, #tpu.memory_space<vmem>>, %arg2: memref<27x128x128xf32, #tpu.memory_space<vmem>>, %arg3: memref<27x1000x128xf32, #tpu.memory_space<vmem>>) attributes {dimension_semantics = [#tpu.dimension_semantics<arbitrary>], iteration_bounds = array<i64: 10>, scalar_prefetch = 0 : i64, scratch_operands = 0 : i64, tpu.core_type = #tpu.core_type<tc>, window_params = [{transform_indices = @transform_0, window_bounds = array<i64: 1000, 128>}, {pipeline_mode = #tpu.pipeline_mode<synchronous>, transform_indices = @transform_1, window_bounds = array<i64: 27, 128, 128>}, {transform_indices = @transform_2, window_bounds = array<i64: 27, 1000, 128>}]} {
    %get3A = arith.constant 0 : index
    %get3A_0 = arith.constant 0 : index
    %get3A_1 = vector.load %arg1[%get3A, %get3A_0] : memref<1000x128xf32, #tpu.memory_space<vmem>>, vector<1000x128xf32>
    %get3A_2 = arith.constant 0 : index
    %get3A_3 = arith.constant 0 : index
    %get3A_4 = arith.constant 0 : index
    %get3A_5 = vector.load %arg2[%get3A_2, %get3A_3, %get3A_4] : memref<27x128x128xf32, #tpu.memory_space<vmem>>, vector<1x128x128xf32>
    %get3A_6 = vector.shape_cast %get3A_5 : vector<1x128x128xf32> to vector<128x128xf32>
    %dot_general3A = arith.constant dense<0.000000e+00> : vector<1000x128xf32>
    %dot_general3A_7 = tpu.matmul %get3A_1, %get3A_6, %dot_general3A {dimension_numbers = #tpu.dot_dimension_numbers<[1], [0], [0], [1], [0, 0, 1, 1], [], []>, transpose_lhs_hint = false} : vector<1000x128xf32>, vector<128x128xf32>, vector<1000x128xf32> -> vector<1000x128xf32>
    %swap3A = arith.constant 0 : index
    %swap3A_8 = arith.constant 0 : index
    %swap3A_9 = arith.constant 0 : index
    %swap3A_10 = vector.load %arg3[%swap3A, %swap3A_8, %swap3A_9] : memref<27x1000x128xf32, #tpu.memory_space<vmem>>, vector<1x1000x128xf32>
    %swap3A_11 = vector.shape_cast %swap3A_10 : vector<1x1000x128xf32> to vector<1000x128xf32>
    %swap3A_12 = vector.shape_cast %dot_general3A_7 : vector<1000x128xf32> to vector<1x1000x128xf32>
    tpu.vector_store %arg3[%swap3A, %swap3A_8, %swap3A_9], %swap3A_12 {strides = array<i32>} : memref<27x1000x128xf32, #tpu.memory_space<vmem>>, vector<1x1000x128xf32>,
    %get3A_13 = arith.constant 0 : index
    %get3A_14 = arith.constant 0 : index
    %get3A_15 = vector.load %arg1[%get3A_13, %get3A_14] : memref<1000x128xf32, #tpu.memory_space<vmem>>, vector<1000x128xf32>
    %get3A_16 = arith.constant 1 : index
    %get3A_17 = arith.constant 0 : index
    %get3A_18 = arith.constant 0 : index
    %get3A_19 = vector.load %arg2[%get3A_16, %get3A_17, %get3A_18] : memref<27x128x128xf32, #tpu.memory_space<vmem>>, vector<1x128x128xf32>
    %get3A_20 = vector.shape_cast %get3A_19 : vector<1x128x128xf32> to vector<128x128xf32>
    %dot_general3A_21 = arith.constant dense<0.000000e+00> : vector<1000x128xf32>
    %dot_general3A_22 = tpu.matmul %get3A_15, %get3A_20, %dot_general3A_21 {dimension_numbers = #tpu.dot_dimension_numbers<[1], [0], [0], [1], [0, 0, 1, 1], [], []>, transpose_lhs_hint = false} : vector<1000x128xf32>, vector<128x128xf32>, vector<1000x128xf32> -> vector<1000x128xf32>
    %swap3A_23 = arith.constant 1 : index
    %swap3A_24 = arith.constant 0 : index
    %swap3A_25 = arith.constant 0 : index
    %swap3A_26 = vector.load %arg3[%swap3A_23, %swap3A_24, %swap3A_25] : memref<27x1000x128xf32, #tpu.memory_space<vmem>>, vector<1x1000x128xf32>
    %swap3A_27 = vector.shape_cast %swap3A_26 : vector<1x1000x128xf32> to vector<1000x128xf32>
    %swap3A_28 = vector.shape_cast %dot_general3A_22 : vector<1000x128xf32> to vector<1x1000x128xf32>
    tpu.vector_store %arg3[%swap3A_23, %swap3A_24, %swap3A_25], %swap3A_28 {strides = array<i32>} : memref<27x1000x128xf32, #tpu.memory_space<vmem>>, vector<1x1000x128xf32>,
    %get3A_29 = arith.constant 0 : index
    %get3A_30 = arith.constant 0 : index
    %get3A_31 = vector.load %arg1[%get3A_29, %get3A_30] : memref<1000x128xf32, #tpu.memory_space<vmem>>, vector<1000x128xf32>
    %get3A_32 = arith.constant 2 : index
    %get3A_33 = arith.constant 0 : index
    %get3A_34 = arith.constant 0 : index
    %get3A_35 = vector.load %arg2[%get3A_32, %get3A_33, %get3A_34] : memref<27x128x128xf32, #tpu.memory_space<vmem>>, vector<1x128x128xf32>
    %get3A_36 = vector.shape_cast %get3A_35 : vector<1x128x128xf32> to vector<128x128xf32>
    %dot_general3A_37 = arith.constant dense<0.000000e+00> : vector<1000x128xf32>
    %dot_general3A_38 = tpu.matmul %get3A_31, %get3A_36, %dot_general3A_37 {dimension_numbers = #tpu.dot_dimension_numbers<[1], [0], [0], [1], [0, 0, 1, 1], [], []>, transpose_lhs_hint = false} : vector<1000x128xf32>, vector<128x128xf32>, vector<1000x128xf32> -> vector<1000x128xf32>
    %swap3A_39 = arith.constant 2 : index
    %swap3A_40 = arith.constant 0 : index
    %swap3A_41 = arith.constant 0 : index
    %swap3A_42 = vector.load %arg3[%swap3A_39, %swap3A_40, %swap3A_41] : memref<27x1000x128xf32, #tpu.memory_space<vmem>>, vector<1x1000x128xf32>
    %swap3A_43 = vector.shape_cast %swap3A_42 : vector<1x1000x128xf32> to vector<1000x128xf32>
    %swap3A_44 = vector.shape_cast %dot_general3A_38 : vector<1000x128xf32> to vector<1x1000x128xf32>
    tpu.vector_store %arg3[%swap3A_39, %swap3A_40, %swap3A_41], %swap3A_44 {strides = array<i32>} : memref<27x1000x128xf32, #tpu.memory_space<vmem>>, vector<1x1000x128xf32>,
    %get3A_45 = arith.constant 0 : index
    %get3A_46 = arith.constant 0 : index
    %get3A_47 = vector.load %arg1[%get3A_45, %get3A_46] : memref<1000x128xf32, #tpu.memory_space<vmem>>, vector<1000x128xf32>
    %get3A_48 = arith.constant 3 : index
    %get3A_49 = arith.constant 0 : index
    %get3A_50 = arith.constant 0 : index
    %get3A_51 = vector.load %arg2[%get3A_48, %get3A_49, %get3A_50] : memref<27x128x128xf32, #tpu.memory_space<vmem>>, vector<1x128x128xf32>
    %get3A_52 = vector.shape_cast %get3A_51 : vector<1x128x128xf32> to vector<128x128xf32>
    %dot_general3A_53 = arith.constant dense<0.000000e+00> : vector<1000x128xf32>
    %dot_general3A_54 = tpu.matmul %get3A_47, %get3A_52, %dot_general3A_53 {dimension_numbers = #tpu.dot_dimension_numbers<[1], [0], [0], [1], [0, 0, 1, 1], [], []>, transpose_lhs_hint = false} : vector<1000x128xf32>, vector<128x128xf32>, vector<1000x128xf32> -> vector<1000x128xf32>
    %swap3A_55 = arith.constant 3 : index
    %swap3A_56 = arith.constant 0 : index
    %swap3A_57 = arith.constant 0 : index
    %swap3A_58 = vector.load %arg3[%swap3A_55, %swap3A_56, %swap3A_57] : memref<27x1000x128xf32, #tpu.memory_space<vmem>>, vector<1x1000x128xf32>
    %swap3A_59 = vector.shape_cast %swap3A_58 : vector<1x1000x128xf32> to vector<1000x128xf32>
    %swap3A_60 = vector.shape_cast %dot_general3A_54 : vector<1000x128xf32> to vector<1x1000x128xf32>
    tpu.vector_store %arg3[%swap3A_55, %swap3A_56, %swap3A_57], %swap3A_60 {strides = array<i32>} : memref<27x1000x128xf32, #tpu.memory_space<vmem>>, vector<1x1000x128xf32>,
    %get3A_61 = arith.constant 0 : index
    %get3A_62 = arith.constant 0 : index
    %get3A_63 = vector.load %arg1[%get3A_61, %get3A_62] : memref<1000x128xf32, #tpu.memory_space<vmem>>, vector<1000x128xf32>
    %get3A_64 = arith.constant 4 : index
    %get3A_65 = arith.constant 0 : index
    %get3A_66 = arith.constant 0 : index
    %get3A_67 = vector.load %arg2[%get3A_64, %get3A_65, %get3A_66] : memref<27x128x128xf32, #tpu.memory_space<vmem>>, vector<1x128x128xf32>
    %get3A_68 = vector.shape_cast %get3A_67 : vector<1x128x128xf32> to vector<128x128xf32>
    %dot_general3A_69 = arith.constant dense<0.000000e+00> : vector<1000x128xf32>
    %dot_general3A_70 = tpu.matmul %get3A_63, %get3A_68, %dot_general3A_69 {dimension_numbers = #tpu.dot_dimension_numbers<[1], [0], [0], [1], [0, 0, 1, 1], [], []>, transpose_lhs_hint = false} : vector<1000x128xf32>, vector<128x128xf32>, vector<1000x128xf32> -> vector<1000x128xf32>
    %swap3A_71 = arith.constant 4 : index
    %swap3A_72 = arith.constant 0 : index
    %swap3A_73 = arith.constant 0 : index
    %swap3A_74 = vector.load %arg3[%swap3A_71, %swap3A_72, %swap3A_73] : memref<27x1000x128xf32, #tpu.memory_space<vmem>>, vector<1x1000x128xf32>
    %swap3A_75 = vector.shape_cast %swap3A_74 : vector<1x1000x128xf32> to vector<1000x128xf32>
    %swap3A_76 = vector.shape_cast %dot_general3A_70 : vector<1000x128xf32> to vector<1x1000x128xf32>
    tpu.vector_store %arg3[%swap3A_71, %swap3A_72, %swap3A_73], %swap3A_76 {strides = array<i32>} : memref<27x1000x128xf32, #tpu.memory_space<vmem>>, vector<1x1000x128xf32>,
    %get3A_77 = arith.constant 0 : index
    %get3A_78 = arith.constant 0 : index
    %get3A_79 = vector.load %arg1[%get3A_77, %get3A_78] : memref<1000x128xf32, #tpu.memory_space<vmem>>, vector<1000x128xf32>
    %get3A_80 = arith.constant 5 : index
    %get3A_81 = arith.constant 0 : index
    %get3A_82 = arith.constant 0 : index
    %get3A_83 = vector.load %arg2[%get3A_80, %get3A_81, %get3A_82] : memref<27x128x128xf32, #tpu.memory_space<vmem>>, vector<1x128x128xf32>
    %get3A_84 = vector.shape_cast %get3A_83 : vector<1x128x128xf32> to vector<128x128xf32>
    %dot_general3A_85 = arith.constant dense<0.000000e+00> : vector<1000x128xf32>
    %dot_general3A_86 = tpu.matmul %get3A_79, %get3A_84, %dot_general3A_85 {dimension_numbers = #tpu.dot_dimension_numbers<[1], [0], [0], [1], [0, 0, 1, 1], [], []>, transpose_lhs_hint = false} : vector<1000x128xf32>, vector<128x128xf32>, vector<1000x128xf32> -> vector<1000x128xf32>
    %swap3A_87 = arith.constant 5 : index
    %swap3A_88 = arith.constant 0 : index
    %swap3A_89 = arith.constant 0 : index
    %swap3A_90 = vector.load %arg3[%swap3A_87, %swap3A_88, %swap3A_89] : memref<27x1000x128xf32, #tpu.memory_space<vmem>>, vector<1x1000x128xf32>
    %swap3A_91 = vector.shape_cast %swap3A_90 : vector<1x1000x128xf32> to vector<1000x128xf32>
    %swap3A_92 = vector.shape_cast %dot_general3A_86 : vector<1000x128xf32> to vector<1x1000x128xf32>
    tpu.vector_store %arg3[%swap3A_87, %swap3A_88, %swap3A_89], %swap3A_92 {strides = array<i32>} : memref<27x1000x128xf32, #tpu.memory_space<vmem>>, vector<1x1000x128xf32>,
    %get3A_93 = arith.constant 0 : index
    %get3A_94 = arith.constant 0 : index
    %get3A_95 = vector.load %arg1[%get3A_93, %get3A_94] : memref<1000x128xf32, #tpu.memory_space<vmem>>, vector<1000x128xf32>
    %get3A_96 = arith.constant 6 : index
    %get3A_97 = arith.constant 0 : index
    %get3A_98 = arith.constant 0 : index
    %get3A_99 = vector.load %arg2[%get3A_96, %get3A_97, %get3A_98] : memref<27x128x128xf32, #tpu.memory_space<vmem>>, vector<1x128x128xf32>
    %get3A_100 = vector.shape_cast %get3A_99 : vector<1x128x128xf32> to vector<128x128xf32>
    %dot_general3A_101 = arith.constant dense<0.000000e+00> : vector<1000x128xf32>
    %dot_general3A_102 = tpu.matmul %get3A_95, %get3A_100, %dot_general3A_101 {dimension_numbers = #tpu.dot_dimension_numbers<[1], [0], [0], [1], [0, 0, 1, 1], [], []>, transpose_lhs_hint = false} : vector<1000x128xf32>, vector<128x128xf32>, vector<1000x128xf32> -> vector<1000x128xf32>
    %swap3A_103 = arith.constant 6 : index
    %swap3A_104 = arith.constant 0 : index
    %swap3A_105 = arith.constant 0 : index
    %swap3A_106 = vector.load %arg3[%swap3A_103, %swap3A_104, %swap3A_105] : memref<27x1000x128xf32, #tpu.memory_space<vmem>>, vector<1x1000x128xf32>
    %swap3A_107 = vector.shape_cast %swap3A_106 : vector<1x1000x128xf32> to vector<1000x128xf32>
    %swap3A_108 = vector.shape_cast %dot_general3A_102 : vector<1000x128xf32> to vector<1x1000x128xf32>
    tpu.vector_store %arg3[%swap3A_103, %swap3A_104, %swap3A_105], %swap3A_108 {strides = array<i32>} : memref<27x1000x128xf32, #tpu.memory_space<vmem>>, vector<1x1000x128xf32>,
    %get3A_109 = arith.constant 0 : index
    %get3A_110 = arith.constant 0 : index
    %get3A_111 = vector.load %arg1[%get3A_109, %get3A_110] : memref<1000x128xf32, #tpu.memory_space<vmem>>, vector<1000x128xf32>
    %get3A_112 = arith.constant 7 : index
    %get3A_113 = arith.constant 0 : index
    %get3A_114 = arith.constant 0 : index
    %get3A_115 = vector.load %arg2[%get3A_112, %get3A_113, %get3A_114] : memref<27x128x128xf32, #tpu.memory_space<vmem>>, vector<1x128x128xf32>
    %get3A_116 = vector.shape_cast %get3A_115 : vector<1x128x128xf32> to vector<128x128xf32>
    %dot_general3A_117 = arith.constant dense<0.000000e+00> : vector<1000x128xf32>
    %dot_general3A_118 = tpu.matmul %get3A_111, %get3A_116, %dot_general3A_117 {dimension_numbers = #tpu.dot_dimension_numbers<[1], [0], [0], [1], [0, 0, 1, 1], [], []>, transpose_lhs_hint = false} : vector<1000x128xf32>, vector<128x128xf32>, vector<1000x128xf32> -> vector<1000x128xf32>
    %swap3A_119 = arith.constant 7 : index
    %swap3A_120 = arith.constant 0 : index
    %swap3A_121 = arith.constant 0 : index
    %swap3A_122 = vector.load %arg3[%swap3A_119, %swap3A_120, %swap3A_121] : memref<27x1000x128xf32, #tpu.memory_space<vmem>>, vector<1x1000x128xf32>
    %swap3A_123 = vector.shape_cast %swap3A_122 : vector<1x1000x128xf32> to vector<1000x128xf32>
    %swap3A_124 = vector.shape_cast %dot_general3A_118 : vector<1000x128xf32> to vector<1x1000x128xf32>
    tpu.vector_store %arg3[%swap3A_119, %swap3A_120, %swap3A_121], %swap3A_124 {strides = array<i32>} : memref<27x1000x128xf32, #tpu.memory_space<vmem>>, vector<1x1000x128xf32>,
    %get3A_125 = arith.constant 0 : index
    %get3A_126 = arith.constant 0 : index
    %get3A_127 = vector.load %arg1[%get3A_125, %get3A_126] : memref<1000x128xf32, #tpu.memory_space<vmem>>, vector<1000x128xf32>
    %get3A_128 = arith.constant 8 : index
    %get3A_129 = arith.constant 0 : index
    %get3A_130 = arith.constant 0 : index
    %get3A_131 = vector.load %arg2[%get3A_128, %get3A_129, %get3A_130] : memref<27x128x128xf32, #tpu.memory_space<vmem>>, vector<1x128x128xf32>
    %get3A_132 = vector.shape_cast %get3A_131 : vector<1x128x128xf32> to vector<128x128xf32>
    %dot_general3A_133 = arith.constant dense<0.000000e+00> : vector<1000x128xf32>
    %dot_general3A_134 = tpu.matmul %get3A_127, %get3A_132, %dot_general3A_133 {dimension_numbers = #tpu.dot_dimension_numbers<[1], [0], [0], [1], [0, 0, 1, 1], [], []>, transpose_lhs_hint = false} : vector<1000x128xf32>, vector<128x128xf32>, vector<1000x128xf32> -> vector<1000x128xf32>
    %swap3A_135 = arith.constant 8 : index
    %swap3A_136 = arith.constant 0 : index
    %swap3A_137 = arith.constant 0 : index
    %swap3A_138 = vector.load %arg3[%swap3A_135, %swap3A_136, %swap3A_137] : memref<27x1000x128xf32, #tpu.memory_space<vmem>>, vector<1x1000x128xf32>
    %swap3A_139 = vector.shape_cast %swap3A_138 : vector<1x1000x128xf32> to vector<1000x128xf32>
    %swap3A_140 = vector.shape_cast %dot_general3A_134 : vector<1000x128xf32> to vector<1x1000x128xf32>
    tpu.vector_store %arg3[%swap3A_135, %swap3A_136, %swap3A_137], %swap3A_140 {strides = array<i32>} : memref<27x1000x128xf32, #tpu.memory_space<vmem>>, vector<1x1000x128xf32>,
    %get3A_141 = arith.constant 0 : index
    %get3A_142 = arith.constant 0 : index
    %get3A_143 = vector.load %arg1[%get3A_141, %get3A_142] : memref<1000x128xf32, #tpu.memory_space<vmem>>, vector<1000x128xf32>
    %get3A_144 = arith.constant 9 : index
    %get3A_145 = arith.constant 0 : index
    %get3A_146 = arith.constant 0 : index
    %get3A_147 = vector.load %arg2[%get3A_144, %get3A_145, %get3A_146] : memref<27x128x128xf32, #tpu.memory_space<vmem>>, vector<1x128x128xf32>
    %get3A_148 = vector.shape_cast %get3A_147 : vector<1x128x128xf32> to vector<128x128xf32>
    %dot_general3A_149 = arith.constant dense<0.000000e+00> : vector<1000x128xf32>
    %dot_general3A_150 = tpu.matmul %get3A_143, %get3A_148, %dot_general3A_149 {dimension_numbers = #tpu.dot_dimension_numbers<[1], [0], [0], [1], [0, 0, 1, 1], [], []>, transpose_lhs_hint = false} : vector<1000x128xf32>, vector<128x128xf32>, vector<1000x128xf32> -> vector<1000x128xf32>
    %swap3A_151 = arith.constant 9 : index
    %swap3A_152 = arith.constant 0 : index
    %swap3A_153 = arith.constant 0 : index
    %swap3A_154 = vector.load %arg3[%swap3A_151, %swap3A_152, %swap3A_153] : memref<27x1000x128xf32, #tpu.memory_space<vmem>>, vector<1x1000x128xf32>
    %swap3A_155 = vector.shape_cast %swap3A_154 : vector<1x1000x128xf32> to vector<1000x128xf32>
    %swap3A_156 = vector.shape_cast %dot_general3A_150 : vector<1000x128xf32> to vector<1x1000x128xf32>
    tpu.vector_store %arg3[%swap3A_151, %swap3A_152, %swap3A_153], %swap3A_156 {strides = array<i32>} : memref<27x1000x128xf32, #tpu.memory_space<vmem>>, vector<1x1000x128xf32>,
    %get3A_157 = arith.constant 0 : index
    %get3A_158 = arith.constant 0 : index
    %get3A_159 = vector.load %arg1[%get3A_157, %get3A_158] : memref<1000x128xf32, #tpu.memory_space<vmem>>, vector<1000x128xf32>
    %get3A_160 = arith.constant 10 : index
    %get3A_161 = arith.constant 0 : index
    %get3A_162 = arith.constant 0 : index
    %get3A_163 = vector.load %arg2[%get3A_160, %get3A_161, %get3A_162] : memref<27x128x128xf32, #tpu.memory_space<vmem>>, vector<1x128x128xf32>
    %get3A_164 = vector.shape_cast %get3A_163 : vector<1x128x128xf32> to vector<128x128xf32>
    %dot_general3A_165 = arith.constant dense<0.000000e+00> : vector<1000x128xf32>
    %dot_general3A_166 = tpu.matmul %get3A_159, %get3A_164, %dot_general3A_165 {dimension_numbers = #tpu.dot_dimension_numbers<[1], [0], [0], [1], [0, 0, 1, 1], [], []>, transpose_lhs_hint = false} : vector<1000x128xf32>, vector<128x128xf32>, vector<1000x128xf32> -> vector<1000x128xf32>
    %swap3A_167 = arith.constant 10 : index
    %swap3A_168 = arith.constant 0 : index
    %swap3A_169 = arith.constant 0 : index
    %swap3A_170 = vector.load %arg3[%swap3A_167, %swap3A_168, %swap3A_169] : memref<27x1000x128xf32, #tpu.memory_space<vmem>>, vector<1x1000x128xf32>
    %swap3A_171 = vector.shape_cast %swap3A_170 : vector<1x1000x128xf32> to vector<1000x128xf32>
    %swap3A_172 = vector.shape_cast %dot_general3A_166 : vector<1000x128xf32> to vector<1x1000x128xf32>
    tpu.vector_store %arg3[%swap3A_167, %swap3A_168, %swap3A_169], %swap3A_172 {strides = array<i32>} : memref<27x1000x128xf32, #tpu.memory_space<vmem>>, vector<1x1000x128xf32>,
    %get3A_173 = arith.constant 0 : index
    %get3A_174 = arith.constant 0 : index
    %get3A_175 = vector.load %arg1[%get3A_173, %get3A_174] : memref<1000x128xf32, #tpu.memory_space<vmem>>, vector<1000x128xf32>
    %get3A_176 = arith.constant 11 : index
    %get3A_177 = arith.constant 0 : index
    %get3A_178 = arith.constant 0 : index
    %get3A_179 = vector.load %arg2[%get3A_176, %get3A_177, %get3A_178] : memref<27x128x128xf32, #tpu.memory_space<vmem>>, vector<1x128x128xf32>
    %get3A_180 = vector.shape_cast %get3A_179 : vector<1x128x128xf32> to vector<128x128xf32>
    %dot_general3A_181 = arith.constant dense<0.000000e+00> : vector<1000x128xf32>
    %dot_general3A_182 = tpu.matmul %get3A_175, %get3A_180, %dot_general3A_181 {dimension_numbers = #tpu.dot_dimension_numbers<[1], [0], [0], [1], [0, 0, 1, 1], [], []>, transpose_lhs_hint = false} : vector<1000x128xf32>, vector<128x128xf32>, vector<1000x128xf32> -> vector<1000x128xf32>
    %swap3A_183 = arith.constant 11 : index
    %swap3A_184 = arith.constant 0 : index
    %swap3A_185 = arith.constant 0 : index
    %swap3A_186 = vector.load %arg3[%swap3A_183, %swap3A_184, %swap3A_185] : memref<27x1000x128xf32, #tpu.memory_space<vmem>>, vector<1x1000x128xf32>
    %swap3A_187 = vector.shape_cast %swap3A_186 : vector<1x1000x128xf32> to vector<1000x128xf32>
    %swap3A_188 = vector.shape_cast %dot_general3A_182 : vector<1000x128xf32> to vector<1x1000x128xf32>
    tpu.vector_store %arg3[%swap3A_183, %swap3A_184, %swap3A_185], %swap3A_188 {strides = array<i32>} : memref<27x1000x128xf32, #tpu.memory_space<vmem>>, vector<1x1000x128xf32>,
    %get3A_189 = arith.constant 0 : index
    %get3A_190 = arith.constant 0 : index
    %get3A_191 = vector.load %arg1[%get3A_189, %get3A_190] : memref<1000x128xf32, #tpu.memory_space<vmem>>, vector<1000x128xf32>
    %get3A_192 = arith.constant 12 : index
    %get3A_193 = arith.constant 0 : index
    %get3A_194 = arith.constant 0 : index
    %get3A_195 = vector.load %arg2[%get3A_192, %get3A_193, %get3A_194] : memref<27x128x128xf32, #tpu.memory_space<vmem>>, vector<1x128x128xf32>
    %get3A_196 = vector.shape_cast %get3A_195 : vector<1x128x128xf32> to vector<128x128xf32>
    %dot_general3A_197 = arith.constant dense<0.000000e+00> : vector<1000x128xf32>
    %dot_general3A_198 = tpu.matmul %get3A_191, %get3A_196, %dot_general3A_197 {dimension_numbers = #tpu.dot_dimension_numbers<[1], [0], [0], [1], [0, 0, 1, 1], [], []>, transpose_lhs_hint = false} : vector<1000x128xf32>, vector<128x128xf32>, vector<1000x128xf32> -> vector<1000x128xf32>
    %swap3A_199 = arith.constant 12 : index
    %swap3A_200 = arith.constant 0 : index
    %swap3A_201 = arith.constant 0 : index
    %swap3A_202 = vector.load %arg3[%swap3A_199, %swap3A_200, %swap3A_201] : memref<27x1000x128xf32, #tpu.memory_space<vmem>>, vector<1x1000x128xf32>
    %swap3A_203 = vector.shape_cast %swap3A_202 : vector<1x1000x128xf32> to vector<1000x128xf32>
    %swap3A_204 = vector.shape_cast %dot_general3A_198 : vector<1000x128xf32> to vector<1x1000x128xf32>
    tpu.vector_store %arg3[%swap3A_199, %swap3A_200, %swap3A_201], %swap3A_204 {strides = array<i32>} : memref<27x1000x128xf32, #tpu.memory_space<vmem>>, vector<1x1000x128xf32>,
    %get3A_205 = arith.constant 0 : index
    %get3A_206 = arith.constant 0 : index
    %get3A_207 = vector.load %arg1[%get3A_205, %get3A_206] : memref<1000x128xf32, #tpu.memory_space<vmem>>, vector<1000x128xf32>
    %get3A_208 = arith.constant 13 : index
    %get3A_209 = arith.constant 0 : index
    %get3A_210 = arith.constant 0 : index
    %get3A_211 = vector.load %arg2[%get3A_208, %get3A_209, %get3A_210] : memref<27x128x128xf32, #tpu.memory_space<vmem>>, vector<1x128x128xf32>
    %get3A_212 = vector.shape_cast %get3A_211 : vector<1x128x128xf32> to vector<128x128xf32>
    %dot_general3A_213 = arith.constant dense<0.000000e+00> : vector<1000x128xf32>
    %dot_general3A_214 = tpu.matmul %get3A_207, %get3A_212, %dot_general3A_213 {dimension_numbers = #tpu.dot_dimension_numbers<[1], [0], [0], [1], [0, 0, 1, 1], [], []>, transpose_lhs_hint = false} : vector<1000x128xf32>, vector<128x128xf32>, vector<1000x128xf32> -> vector<1000x128xf32>
    %swap3A_215 = arith.constant 13 : index
    %swap3A_216 = arith.constant 0 : index
    %swap3A_217 = arith.constant 0 : index
    %swap3A_218 = vector.load %arg3[%swap3A_215, %swap3A_216, %swap3A_217] : memref<27x1000x128xf32, #tpu.memory_space<vmem>>, vector<1x1000x128xf32>
    %swap3A_219 = vector.shape_cast %swap3A_218 : vector<1x1000x128xf32> to vector<1000x128xf32>
    %swap3A_220 = vector.shape_cast %dot_general3A_214 : vector<1000x128xf32> to vector<1x1000x128xf32>
    tpu.vector_store %arg3[%swap3A_215, %swap3A_216, %swap3A_217], %swap3A_220 {strides = array<i32>} : memref<27x1000x128xf32, #tpu.memory_space<vmem>>, vector<1x1000x128xf32>,
    %get3A_221 = arith.constant 0 : index
    %get3A_222 = arith.constant 0 : index
    %get3A_223 = vector.load %arg1[%get3A_221, %get3A_222] : memref<1000x128xf32, #tpu.memory_space<vmem>>, vector<1000x128xf32>
    %get3A_224 = arith.constant 14 : index
    %get3A_225 = arith.constant 0 : index
    %get3A_226 = arith.constant 0 : index
    %get3A_227 = vector.load %arg2[%get3A_224, %get3A_225, %get3A_226] : memref<27x128x128xf32, #tpu.memory_space<vmem>>, vector<1x128x128xf32>
    %get3A_228 = vector.shape_cast %get3A_227 : vector<1x128x128xf32> to vector<128x128xf32>
    %dot_general3A_229 = arith.constant dense<0.000000e+00> : vector<1000x128xf32>
    %dot_general3A_230 = tpu.matmul %get3A_223, %get3A_228, %dot_general3A_229 {dimension_numbers = #tpu.dot_dimension_numbers<[1], [0], [0], [1], [0, 0, 1, 1], [], []>, transpose_lhs_hint = false} : vector<1000x128xf32>, vector<128x128xf32>, vector<1000x128xf32> -> vector<1000x128xf32>
    %swap3A_231 = arith.constant 14 : index
    %swap3A_232 = arith.constant 0 : index
    %swap3A_233 = arith.constant 0 : index
    %swap3A_234 = vector.load %arg3[%swap3A_231, %swap3A_232, %swap3A_233] : memref<27x1000x128xf32, #tpu.memory_space<vmem>>, vector<1x1000x128xf32>
    %swap3A_235 = vector.shape_cast %swap3A_234 : vector<1x1000x128xf32> to vector<1000x128xf32>
    %swap3A_236 = vector.shape_cast %dot_general3A_230 : vector<1000x128xf32> to vector<1x1000x128xf32>
    tpu.vector_store %arg3[%swap3A_231, %swap3A_232, %swap3A_233], %swap3A_236 {strides = array<i32>} : memref<27x1000x128xf32, #tpu.memory_space<vmem>>, vector<1x1000x128xf32>,
    %get3A_237 = arith.constant 0 : index
    %get3A_238 = arith.constant 0 : index
    %get3A_239 = vector.load %arg1[%get3A_237, %get3A_238] : memref<1000x128xf32, #tpu.memory_space<vmem>>, vector<1000x128xf32>
    %get3A_240 = arith.constant 15 : index
    %get3A_241 = arith.constant 0 : index
    %get3A_242 = arith.constant 0 : index
    %get3A_243 = vector.load %arg2[%get3A_240, %get3A_241, %get3A_242] : memref<27x128x128xf32, #tpu.memory_space<vmem>>, vector<1x128x128xf32>
    %get3A_244 = vector.shape_cast %get3A_243 : vector<1x128x128xf32> to vector<128x128xf32>
    %dot_general3A_245 = arith.constant dense<0.000000e+00> : vector<1000x128xf32>
    %dot_general3A_246 = tpu.matmul %get3A_239, %get3A_244, %dot_general3A_245 {dimension_numbers = #tpu.dot_dimension_numbers<[1], [0], [0], [1], [0, 0, 1, 1], [], []>, transpose_lhs_hint = false} : vector<1000x128xf32>, vector<128x128xf32>, vector<1000x128xf32> -> vector<1000x128xf32>
    %swap3A_247 = arith.constant 15 : index
    %swap3A_248 = arith.constant 0 : index
    %swap3A_249 = arith.constant 0 : index
    %swap3A_250 = vector.load %arg3[%swap3A_247, %swap3A_248, %swap3A_249] : memref<27x1000x128xf32, #tpu.memory_space<vmem>>, vector<1x1000x128xf32>
    %swap3A_251 = vector.shape_cast %swap3A_250 : vector<1x1000x128xf32> to vector<1000x128xf32>
    %swap3A_252 = vector.shape_cast %dot_general3A_246 : vector<1000x128xf32> to vector<1x1000x128xf32>
    tpu.vector_store %arg3[%swap3A_247, %swap3A_248, %swap3A_249], %swap3A_252 {strides = array<i32>} : memref<27x1000x128xf32, #tpu.memory_space<vmem>>, vector<1x1000x128xf32>,
    %get3A_253 = arith.constant 0 : index
    %get3A_254 = arith.constant 0 : index
    %get3A_255 = vector.load %arg1[%get3A_253, %get3A_254] : memref<1000x128xf32, #tpu.memory_space<vmem>>, vector<1000x128xf32>
    %get3A_256 = arith.constant 16 : index
    %get3A_257 = arith.constant 0 : index
    %get3A_258 = arith.constant 0 : index
    %get3A_259 = vector.load %arg2[%get3A_256, %get3A_257, %get3A_258] : memref<27x128x128xf32, #tpu.memory_space<vmem>>, vector<1x128x128xf32>
    %get3A_260 = vector.shape_cast %get3A_259 : vector<1x128x128xf32> to vector<128x128xf32>
    %dot_general3A_261 = arith.constant dense<0.000000e+00> : vector<1000x128xf32>
    %dot_general3A_262 = tpu.matmul %get3A_255, %get3A_260, %dot_general3A_261 {dimension_numbers = #tpu.dot_dimension_numbers<[1], [0], [0], [1], [0, 0, 1, 1], [], []>, transpose_lhs_hint = false} : vector<1000x128xf32>, vector<128x128xf32>, vector<1000x128xf32> -> vector<1000x128xf32>
    %swap3A_263 = arith.constant 16 : index
    %swap3A_264 = arith.constant 0 : index
    %swap3A_265 = arith.constant 0 : index
    %swap3A_266 = vector.load %arg3[%swap3A_263, %swap3A_264, %swap3A_265] : memref<27x1000x128xf32, #tpu.memory_space<vmem>>, vector<1x1000x128xf32>
    %swap3A_267 = vector.shape_cast %swap3A_266 : vector<1x1000x128xf32> to vector<1000x128xf32>
    %swap3A_268 = vector.shape_cast %dot_general3A_262 : vector<1000x128xf32> to vector<1x1000x128xf32>
    tpu.vector_store %arg3[%swap3A_263, %swap3A_264, %swap3A_265], %swap3A_268 {strides = array<i32>} : memref<27x1000x128xf32, #tpu.memory_space<vmem>>, vector<1x1000x128xf32>,
    %get3A_269 = arith.constant 0 : index
    %get3A_270 = arith.constant 0 : index
    %get3A_271 = vector.load %arg1[%get3A_269, %get3A_270] : memref<1000x128xf32, #tpu.memory_space<vmem>>, vector<1000x128xf32>
    %get3A_272 = arith.constant 17 : index
    %get3A_273 = arith.constant 0 : index
    %get3A_274 = arith.constant 0 : index
    %get3A_275 = vector.load %arg2[%get3A_272, %get3A_273, %get3A_274] : memref<27x128x128xf32, #tpu.memory_space<vmem>>, vector<1x128x128xf32>
    %get3A_276 = vector.shape_cast %get3A_275 : vector<1x128x128xf32> to vector<128x128xf32>
    %dot_general3A_277 = arith.constant dense<0.000000e+00> : vector<1000x128xf32>
    %dot_general3A_278 = tpu.matmul %get3A_271, %get3A_276, %dot_general3A_277 {dimension_numbers = #tpu.dot_dimension_numbers<[1], [0], [0], [1], [0, 0, 1, 1], [], []>, transpose_lhs_hint = false} : vector<1000x128xf32>, vector<128x128xf32>, vector<1000x128xf32> -> vector<1000x128xf32>
    %swap3A_279 = arith.constant 17 : index
    %swap3A_280 = arith.constant 0 : index
    %swap3A_281 = arith.constant 0 : index
    %swap3A_282 = vector.load %arg3[%swap3A_279, %swap3A_280, %swap3A_281] : memref<27x1000x128xf32, #tpu.memory_space<vmem>>, vector<1x1000x128xf32>
    %swap3A_283 = vector.shape_cast %swap3A_282 : vector<1x1000x128xf32> to vector<1000x128xf32>
    %swap3A_284 = vector.shape_cast %dot_general3A_278 : vector<1000x128xf32> to vector<1x1000x128xf32>
    tpu.vector_store %arg3[%swap3A_279, %swap3A_280, %swap3A_281], %swap3A_284 {strides = array<i32>} : memref<27x1000x128xf32, #tpu.memory_space<vmem>>, vector<1x1000x128xf32>,
    %get3A_285 = arith.constant 0 : index
    %get3A_286 = arith.constant 0 : index
    %get3A_287 = vector.load %arg1[%get3A_285, %get3A_286] : memref<1000x128xf32, #tpu.memory_space<vmem>>, vector<1000x128xf32>
    %get3A_288 = arith.constant 18 : index
    %get3A_289 = arith.constant 0 : index
    %get3A_290 = arith.constant 0 : index
    %get3A_291 = vector.load %arg2[%get3A_288, %get3A_289, %get3A_290] : memref<27x128x128xf32, #tpu.memory_space<vmem>>, vector<1x128x128xf32>
    %get3A_292 = vector.shape_cast %get3A_291 : vector<1x128x128xf32> to vector<128x128xf32>
    %dot_general3A_293 = arith.constant dense<0.000000e+00> : vector<1000x128xf32>
    %dot_general3A_294 = tpu.matmul %get3A_287, %get3A_292, %dot_general3A_293 {dimension_numbers = #tpu.dot_dimension_numbers<[1], [0], [0], [1], [0, 0, 1, 1], [], []>, transpose_lhs_hint = false} : vector<1000x128xf32>, vector<128x128xf32>, vector<1000x128xf32> -> vector<1000x128xf32>
    %swap3A_295 = arith.constant 18 : index
    %swap3A_296 = arith.constant 0 : index
    %swap3A_297 = arith.constant 0 : index
    %swap3A_298 = vector.load %arg3[%swap3A_295, %swap3A_296, %swap3A_297] : memref<27x1000x128xf32, #tpu.memory_space<vmem>>, vector<1x1000x128xf32>
    %swap3A_299 = vector.shape_cast %swap3A_298 : vector<1x1000x128xf32> to vector<1000x128xf32>
    %swap3A_300 = vector.shape_cast %dot_general3A_294 : vector<1000x128xf32> to vector<1x1000x128xf32>
    tpu.vector_store %arg3[%swap3A_295, %swap3A_296, %swap3A_297], %swap3A_300 {strides = array<i32>} : memref<27x1000x128xf32, #tpu.memory_space<vmem>>, vector<1x1000x128xf32>,
    %get3A_301 = arith.constant 0 : index
    %get3A_302 = arith.constant 0 : index
    %get3A_303 = vector.load %arg1[%get3A_301, %get3A_302] : memref<1000x128xf32, #tpu.memory_space<vmem>>, vector<1000x128xf32>
    %get3A_304 = arith.constant 19 : index
    %get3A_305 = arith.constant 0 : index
    %get3A_306 = arith.constant 0 : index
    %get3A_307 = vector.load %arg2[%get3A_304, %get3A_305, %get3A_306] : memref<27x128x128xf32, #tpu.memory_space<vmem>>, vector<1x128x128xf32>
    %get3A_308 = vector.shape_cast %get3A_307 : vector<1x128x128xf32> to vector<128x128xf32>
    %dot_general3A_309 = arith.constant dense<0.000000e+00> : vector<1000x128xf32>
    %dot_general3A_310 = tpu.matmul %get3A_303, %get3A_308, %dot_general3A_309 {dimension_numbers = #tpu.dot_dimension_numbers<[1], [0], [0], [1], [0, 0, 1, 1], [], []>, transpose_lhs_hint = false} : vector<1000x128xf32>, vector<128x128xf32>, vector<1000x128xf32> -> vector<1000x128xf32>
    %swap3A_311 = arith.constant 19 : index
    %swap3A_312 = arith.constant 0 : index
    %swap3A_313 = arith.constant 0 : index
    %swap3A_314 = vector.load %arg3[%swap3A_311, %swap3A_312, %swap3A_313] : memref<27x1000x128xf32, #tpu.memory_space<vmem>>, vector<1x1000x128xf32>
    %swap3A_315 = vector.shape_cast %swap3A_314 : vector<1x1000x128xf32> to vector<1000x128xf32>
    %swap3A_316 = vector.shape_cast %dot_general3A_310 : vector<1000x128xf32> to vector<1x1000x128xf32>
    tpu.vector_store %arg3[%swap3A_311, %swap3A_312, %swap3A_313], %swap3A_316 {strides = array<i32>} : memref<27x1000x128xf32, #tpu.memory_space<vmem>>, vector<1x1000x128xf32>,
    %get3A_317 = arith.constant 0 : index
    %get3A_318 = arith.constant 0 : index
    %get3A_319 = vector.load %arg1[%get3A_317, %get3A_318] : memref<1000x128xf32, #tpu.memory_space<vmem>>, vector<1000x128xf32>
    %get3A_320 = arith.constant 20 : index
    %get3A_321 = arith.constant 0 : index
    %get3A_322 = arith.constant 0 : index
    %get3A_323 = vector.load %arg2[%get3A_320, %get3A_321, %get3A_322] : memref<27x128x128xf32, #tpu.memory_space<vmem>>, vector<1x128x128xf32>
    %get3A_324 = vector.shape_cast %get3A_323 : vector<1x128x128xf32> to vector<128x128xf32>
    %dot_general3A_325 = arith.constant dense<0.000000e+00> : vector<1000x128xf32>
    %dot_general3A_326 = tpu.matmul %get3A_319, %get3A_324, %dot_general3A_325 {dimension_numbers = #tpu.dot_dimension_numbers<[1], [0], [0], [1], [0, 0, 1, 1], [], []>, transpose_lhs_hint = false} : vector<1000x128xf32>, vector<128x128xf32>, vector<1000x128xf32> -> vector<1000x128xf32>
    %swap3A_327 = arith.constant 20 : index
    %swap3A_328 = arith.constant 0 : index
    %swap3A_329 = arith.constant 0 : index
    %swap3A_330 = vector.load %arg3[%swap3A_327, %swap3A_328, %swap3A_329] : memref<27x1000x128xf32, #tpu.memory_space<vmem>>, vector<1x1000x128xf32>
    %swap3A_331 = vector.shape_cast %swap3A_330 : vector<1x1000x128xf32> to vector<1000x128xf32>
    %swap3A_332 = vector.shape_cast %dot_general3A_326 : vector<1000x128xf32> to vector<1x1000x128xf32>
    tpu.vector_store %arg3[%swap3A_327, %swap3A_328, %swap3A_329], %swap3A_332 {strides = array<i32>} : memref<27x1000x128xf32, #tpu.memory_space<vmem>>, vector<1x1000x128xf32>,
    %get3A_333 = arith.constant 0 : index
    %get3A_334 = arith.constant 0 : index
    %get3A_335 = vector.load %arg1[%get3A_333, %get3A_334] : memref<1000x128xf32, #tpu.memory_space<vmem>>, vector<1000x128xf32>
    %get3A_336 = arith.constant 21 : index
    %get3A_337 = arith.constant 0 : index
    %get3A_338 = arith.constant 0 : index
    %get3A_339 = vector.load %arg2[%get3A_336, %get3A_337, %get3A_338] : memref<27x128x128xf32, #tpu.memory_space<vmem>>, vector<1x128x128xf32>
    %get3A_340 = vector.shape_cast %get3A_339 : vector<1x128x128xf32> to vector<128x128xf32>
    %dot_general3A_341 = arith.constant dense<0.000000e+00> : vector<1000x128xf32>
    %dot_general3A_342 = tpu.matmul %get3A_335, %get3A_340, %dot_general3A_341 {dimension_numbers = #tpu.dot_dimension_numbers<[1], [0], [0], [1], [0, 0, 1, 1], [], []>, transpose_lhs_hint = false} : vector<1000x128xf32>, vector<128x128xf32>, vector<1000x128xf32> -> vector<1000x128xf32>
    %swap3A_343 = arith.constant 21 : index
    %swap3A_344 = arith.constant 0 : index
    %swap3A_345 = arith.constant 0 : index
    %swap3A_346 = vector.load %arg3[%swap3A_343, %swap3A_344, %swap3A_345] : memref<27x1000x128xf32, #tpu.memory_space<vmem>>, vector<1x1000x128xf32>
    %swap3A_347 = vector.shape_cast %swap3A_346 : vector<1x1000x128xf32> to vector<1000x128xf32>
    %swap3A_348 = vector.shape_cast %dot_general3A_342 : vector<1000x128xf32> to vector<1x1000x128xf32>
    tpu.vector_store %arg3[%swap3A_343, %swap3A_344, %swap3A_345], %swap3A_348 {strides = array<i32>} : memref<27x1000x128xf32, #tpu.memory_space<vmem>>, vector<1x1000x128xf32>,
    %get3A_349 = arith.constant 0 : index
    %get3A_350 = arith.constant 0 : index
    %get3A_351 = vector.load %arg1[%get3A_349, %get3A_350] : memref<1000x128xf32, #tpu.memory_space<vmem>>, vector<1000x128xf32>
    %get3A_352 = arith.constant 22 : index
    %get3A_353 = arith.constant 0 : index
    %get3A_354 = arith.constant 0 : index
    %get3A_355 = vector.load %arg2[%get3A_352, %get3A_353, %get3A_354] : memref<27x128x128xf32, #tpu.memory_space<vmem>>, vector<1x128x128xf32>
    %get3A_356 = vector.shape_cast %get3A_355 : vector<1x128x128xf32> to vector<128x128xf32>
    %dot_general3A_357 = arith.constant dense<0.000000e+00> : vector<1000x128xf32>
    %dot_general3A_358 = tpu.matmul %get3A_351, %get3A_356, %dot_general3A_357 {dimension_numbers = #tpu.dot_dimension_numbers<[1], [0], [0], [1], [0, 0, 1, 1], [], []>, transpose_lhs_hint = false} : vector<1000x128xf32>, vector<128x128xf32>, vector<1000x128xf32> -> vector<1000x128xf32>
    %swap3A_359 = arith.constant 22 : index
    %swap3A_360 = arith.constant 0 : index
    %swap3A_361 = arith.constant 0 : index
    %swap3A_362 = vector.load %arg3[%swap3A_359, %swap3A_360, %swap3A_361] : memref<27x1000x128xf32, #tpu.memory_space<vmem>>, vector<1x1000x128xf32>
    %swap3A_363 = vector.shape_cast %swap3A_362 : vector<1x1000x128xf32> to vector<1000x128xf32>
    %swap3A_364 = vector.shape_cast %dot_general3A_358 : vector<1000x128xf32> to vector<1x1000x128xf32>
    tpu.vector_store %arg3[%swap3A_359, %swap3A_360, %swap3A_361], %swap3A_364 {strides = array<i32>} : memref<27x1000x128xf32, #tpu.memory_space<vmem>>, vector<1x1000x128xf32>,
    %get3A_365 = arith.constant 0 : index
    %get3A_366 = arith.constant 0 : index
    %get3A_367 = vector.load %arg1[%get3A_365, %get3A_366] : memref<1000x128xf32, #tpu.memory_space<vmem>>, vector<1000x128xf32>
    %get3A_368 = arith.constant 23 : index
    %get3A_369 = arith.constant 0 : index
    %get3A_370 = arith.constant 0 : index
    %get3A_371 = vector.load %arg2[%get3A_368, %get3A_369, %get3A_370] : memref<27x128x128xf32, #tpu.memory_space<vmem>>, vector<1x128x128xf32>
    %get3A_372 = vector.shape_cast %get3A_371 : vector<1x128x128xf32> to vector<128x128xf32>
    %dot_general3A_373 = arith.constant dense<0.000000e+00> : vector<1000x128xf32>
    %dot_general3A_374 = tpu.matmul %get3A_367, %get3A_372, %dot_general3A_373 {dimension_numbers = #tpu.dot_dimension_numbers<[1], [0], [0], [1], [0, 0, 1, 1], [], []>, transpose_lhs_hint = false} : vector<1000x128xf32>, vector<128x128xf32>, vector<1000x128xf32> -> vector<1000x128xf32>
    %swap3A_375 = arith.constant 23 : index
    %swap3A_376 = arith.constant 0 : index
    %swap3A_377 = arith.constant 0 : index
    %swap3A_378 = vector.load %arg3[%swap3A_375, %swap3A_376, %swap3A_377] : memref<27x1000x128xf32, #tpu.memory_space<vmem>>, vector<1x1000x128xf32>
    %swap3A_379 = vector.shape_cast %swap3A_378 : vector<1x1000x128xf32> to vector<1000x128xf32>
    %swap3A_380 = vector.shape_cast %dot_general3A_374 : vector<1000x128xf32> to vector<1x1000x128xf32>
    tpu.vector_store %arg3[%swap3A_375, %swap3A_376, %swap3A_377], %swap3A_380 {strides = array<i32>} : memref<27x1000x128xf32, #tpu.memory_space<vmem>>, vector<1x1000x128xf32>,
    %get3A_381 = arith.constant 0 : index
    %get3A_382 = arith.constant 0 : index
    %get3A_383 = vector.load %arg1[%get3A_381, %get3A_382] : memref<1000x128xf32, #tpu.memory_space<vmem>>, vector<1000x128xf32>
    %get3A_384 = arith.constant 24 : index
    %get3A_385 = arith.constant 0 : index
    %get3A_386 = arith.constant 0 : index
    %get3A_387 = vector.load %arg2[%get3A_384, %get3A_385, %get3A_386] : memref<27x128x128xf32, #tpu.memory_space<vmem>>, vector<1x128x128xf32>
    %get3A_388 = vector.shape_cast %get3A_387 : vector<1x128x128xf32> to vector<128x128xf32>
    %dot_general3A_389 = arith.constant dense<0.000000e+00> : vector<1000x128xf32>
    %dot_general3A_390 = tpu.matmul %get3A_383, %get3A_388, %dot_general3A_389 {dimension_numbers = #tpu.dot_dimension_numbers<[1], [0], [0], [1], [0, 0, 1, 1], [], []>, transpose_lhs_hint = false} : vector<1000x128xf32>, vector<128x128xf32>, vector<1000x128xf32> -> vector<1000x128xf32>
    %swap3A_391 = arith.constant 24 : index
    %swap3A_392 = arith.constant 0 : index
    %swap3A_393 = arith.constant 0 : index
    %swap3A_394 = vector.load %arg3[%swap3A_391, %swap3A_392, %swap3A_393] : memref<27x1000x128xf32, #tpu.memory_space<vmem>>, vector<1x1000x128xf32>
    %swap3A_395 = vector.shape_cast %swap3A_394 : vector<1x1000x128xf32> to vector<1000x128xf32>
    %swap3A_396 = vector.shape_cast %dot_general3A_390 : vector<1000x128xf32> to vector<1x1000x128xf32>
    tpu.vector_store %arg3[%swap3A_391, %swap3A_392, %swap3A_393], %swap3A_396 {strides = array<i32>} : memref<27x1000x128xf32, #tpu.memory_space<vmem>>, vector<1x1000x128xf32>,
    %get3A_397 = arith.constant 0 : index
    %get3A_398 = arith.constant 0 : index
    %get3A_399 = vector.load %arg1[%get3A_397, %get3A_398] : memref<1000x128xf32, #tpu.memory_space<vmem>>, vector<1000x128xf32>
    %get3A_400 = arith.constant 25 : index
    %get3A_401 = arith.constant 0 : index
    %get3A_402 = arith.constant 0 : index
    %get3A_403 = vector.load %arg2[%get3A_400, %get3A_401, %get3A_402] : memref<27x128x128xf32, #tpu.memory_space<vmem>>, vector<1x128x128xf32>
    %get3A_404 = vector.shape_cast %get3A_403 : vector<1x128x128xf32> to vector<128x128xf32>
    %dot_general3A_405 = arith.constant dense<0.000000e+00> : vector<1000x128xf32>
    %dot_general3A_406 = tpu.matmul %get3A_399, %get3A_404, %dot_general3A_405 {dimension_numbers = #tpu.dot_dimension_numbers<[1], [0], [0], [1], [0, 0, 1, 1], [], []>, transpose_lhs_hint = false} : vector<1000x128xf32>, vector<128x128xf32>, vector<1000x128xf32> -> vector<1000x128xf32>
    %swap3A_407 = arith.constant 25 : index
    %swap3A_408 = arith.constant 0 : index
    %swap3A_409 = arith.constant 0 : index
    %swap3A_410 = vector.load %arg3[%swap3A_407, %swap3A_408, %swap3A_409] : memref<27x1000x128xf32, #tpu.memory_space<vmem>>, vector<1x1000x128xf32>
    %swap3A_411 = vector.shape_cast %swap3A_410 : vector<1x1000x128xf32> to vector<1000x128xf32>
    %swap3A_412 = vector.shape_cast %dot_general3A_406 : vector<1000x128xf32> to vector<1x1000x128xf32>
    tpu.vector_store %arg3[%swap3A_407, %swap3A_408, %swap3A_409], %swap3A_412 {strides = array<i32>} : memref<27x1000x128xf32, #tpu.memory_space<vmem>>, vector<1x1000x128xf32>,
    %get3A_413 = arith.constant 0 : index
    %get3A_414 = arith.constant 0 : index
    %get3A_415 = vector.load %arg1[%get3A_413, %get3A_414] : memref<1000x128xf32, #tpu.memory_space<vmem>>, vector<1000x128xf32>
    %get3A_416 = arith.constant 26 : index
    %get3A_417 = arith.constant 0 : index
    %get3A_418 = arith.constant 0 : index
    %get3A_419 = vector.load %arg2[%get3A_416, %get3A_417, %get3A_418] : memref<27x128x128xf32, #tpu.memory_space<vmem>>, vector<1x128x128xf32>
    %get3A_420 = vector.shape_cast %get3A_419 : vector<1x128x128xf32> to vector<128x128xf32>
    %dot_general3A_421 = arith.constant dense<0.000000e+00> : vector<1000x128xf32>
    %dot_general3A_422 = tpu.matmul %get3A_415, %get3A_420, %dot_general3A_421 {dimension_numbers = #tpu.dot_dimension_numbers<[1], [0], [0], [1], [0, 0, 1, 1], [], []>, transpose_lhs_hint = false} : vector<1000x128xf32>, vector<128x128xf32>, vector<1000x128xf32> -> vector<1000x128xf32>
    %swap3A_423 = arith.constant 26 : index
    %swap3A_424 = arith.constant 0 : index
    %swap3A_425 = arith.constant 0 : index
    %swap3A_426 = vector.load %arg3[%swap3A_423, %swap3A_424, %swap3A_425] : memref<27x1000x128xf32, #tpu.memory_space<vmem>>, vector<1x1000x128xf32>
    %swap3A_427 = vector.shape_cast %swap3A_426 : vector<1x1000x128xf32> to vector<1000x128xf32>
    %swap3A_428 = vector.shape_cast %dot_general3A_422 : vector<1000x128xf32> to vector<1x1000x128xf32>
    tpu.vector_store %arg3[%swap3A_423, %swap3A_424, %swap3A_425], %swap3A_428 {strides = array<i32>} : memref<27x1000x128xf32, #tpu.memory_space<vmem>>, vector<1x1000x128xf32>,
    return
  }
  func.func @transform_0(%arg0: i32) -> (i32, i32) {
    %c0_i32 = arith.constant 0 : i32
    %c0_i32_0 = arith.constant 0 : i32
    return %arg0, %c0_i32 : i32, i32
  }
  func.func @transform_1(%arg0: i32) -> (i32, i32, i32) {
    %c0_i32 = arith.constant 0 : i32
    %c0_i32_0 = arith.constant 0 : i32
    %c0_i32_1 = arith.constant 0 : i32
    %c0_i32_2 = arith.constant 0 : i32
    return %c0_i32, %c0_i32_0, %c0_i32_1 : i32, i32, i32
  }
  func.func @transform_2(%arg0: i32) -> (i32, i32, i32) {
    %c0_i32 = arith.constant 0 : i32
    %c0_i32_0 = arith.constant 0 : i32
    %c0_i32_1 = arith.constant 0 : i32
    return %c0_i32, %arg0, %c0_i32_0 : i32, i32, i32
  }
}

module attributes {stable_mosaic.version = 14 : i64} {
  func.func @_bn_body(%arg0: memref<2x10112x128xf32, #tpu.memory_space<vmem>>, %arg1: memref<1x128xf32, #tpu.memory_space<vmem>>, %arg2: memref<1x128xf32, #tpu.memory_space<vmem>>, %arg3: memref<10000x128xf32, #tpu.memory_space<vmem>>) attributes {dimension_semantics = [], scalar_prefetch = 0 : i64, scratch_operands = 0 : i64, tpu.core_type = #tpu.core_type<tc>} {
    %get3A = arith.constant 0 : index
    %get3A_0 = arith.constant 0 : index
    %get3A_1 = arith.constant 0 : index
    %get3A_2 = vector.load %arg0[%get3A, %get3A_0, %get3A_1] : memref<2x10112x128xf32, #tpu.memory_space<vmem>>, vector<1x10000x128xf32>
    %get3A_3 = vector.shape_cast %get3A_2 : vector<1x10000x128xf32> to vector<10000x128xf32>
    %get3A_4 = arith.constant 1 : index
    %get3A_5 = arith.constant 0 : index
    %get3A_6 = arith.constant 0 : index
    %get3A_7 = vector.load %arg0[%get3A_4, %get3A_5, %get3A_6] : memref<2x10112x128xf32, #tpu.memory_space<vmem>>, vector<1x10000x128xf32>
    %get3A_8 = vector.shape_cast %get3A_7 : vector<1x10000x128xf32> to vector<10000x128xf32>
    %add3A = arith.addf %get3A_3, %get3A_8 : vector<10000x128xf32>
    %reduce_sum3A = arith.constant dense<0.000000e+00> : vector<128xf32>
    %reduce_sum3A_9 = vector.multi_reduction <add>, %add3A, %reduce_sum3A [0] : vector<10000x128xf32> to vector<128xf32>
    %broadcast_in_dim3A = vector.shape_cast %reduce_sum3A_9 : vector<128xf32> to vector<1x128xf32>
    %div3A = arith.constant 1.000000e+04 : f32
    %div3A_10 = vector.broadcast %div3A : f32 to vector<1x128xf32>
    %div3A_11 = arith.divf %broadcast_in_dim3A, %div3A_10 : vector<1x128xf32>
    %mul3A = arith.mulf %add3A, %add3A : vector<10000x128xf32>
    %reduce_sum3A_12 = arith.constant dense<0.000000e+00> : vector<128xf32>
    %reduce_sum3A_13 = vector.multi_reduction <add>, %mul3A, %reduce_sum3A_12 [0] : vector<10000x128xf32> to vector<128xf32>
    %broadcast_in_dim3A_14 = vector.shape_cast %reduce_sum3A_13 : vector<128xf32> to vector<1x128xf32>
    %div3A_15 = arith.constant 1.000000e+04 : f32
    %div3A_16 = vector.broadcast %div3A_15 : f32 to vector<1x128xf32>
    %div3A_17 = arith.divf %broadcast_in_dim3A_14, %div3A_16 : vector<1x128xf32>
    %mul3A_18 = arith.mulf %div3A_11, %div3A_11 : vector<1x128xf32>
    %sub3A = arith.subf %div3A_17, %mul3A_18 : vector<1x128xf32>
    %add3A_19 = arith.constant 9.99999974E-6 : f32
    %add3A_20 = vector.broadcast %add3A_19 : f32 to vector<1x128xf32>
    %add3A_21 = arith.addf %sub3A, %add3A_20 : vector<1x128xf32>
    %rsqrt3A = math.rsqrt %add3A_21 : vector<1x128xf32>
    %sub3A_22 = vector.broadcast %div3A_11 : vector<1x128xf32> to vector<10000x128xf32>
    %sub3A_23 = arith.subf %add3A, %sub3A_22 : vector<10000x128xf32>
    %mul3A_24 = vector.broadcast %rsqrt3A : vector<1x128xf32> to vector<10000x128xf32>
    %mul3A_25 = arith.mulf %sub3A_23, %mul3A_24 : vector<10000x128xf32>
    %get3A_26 = arith.constant 0 : index
    %get3A_27 = arith.constant 0 : index
    %get3A_28 = vector.load %arg1[%get3A_26, %get3A_27] : memref<1x128xf32, #tpu.memory_space<vmem>>, vector<1x128xf32>
    %mul3A_29 = vector.broadcast %get3A_28 : vector<1x128xf32> to vector<10000x128xf32>
    %mul3A_30 = arith.mulf %mul3A_25, %mul3A_29 : vector<10000x128xf32>
    %get3A_31 = arith.constant 0 : index
    %get3A_32 = arith.constant 0 : index
    %get3A_33 = vector.load %arg2[%get3A_31, %get3A_32] : memref<1x128xf32, #tpu.memory_space<vmem>>, vector<1x128xf32>
    %add3A_34 = vector.broadcast %get3A_33 : vector<1x128xf32> to vector<10000x128xf32>
    %add3A_35 = arith.addf %mul3A_30, %add3A_34 : vector<10000x128xf32>
    %max3A = arith.constant 0.000000e+00 : f32
    %max3A_36 = vector.broadcast %max3A : f32 to vector<10000x128xf32>
    %max3A_37 = arith.maximumf %add3A_35, %max3A_36 : vector<10000x128xf32>
    %swap3A = arith.constant 0 : index
    %swap3A_38 = arith.constant 0 : index
    %swap3A_39 = vector.load %arg3[%swap3A, %swap3A_38] : memref<10000x128xf32, #tpu.memory_space<vmem>>, vector<10000x128xf32>
    tpu.vector_store %arg3[%swap3A, %swap3A_38], %max3A_37 {strides = array<i32>} : memref<10000x128xf32, #tpu.memory_space<vmem>>, vector<10000x128xf32>,
    return
  }
}

</mosaic_0001>

<sc_bundles>
// kernel: kernel.5.cloned.1.call-start
scs
__scs_entry_jumppad:
0x0: {  	(pc) =	sbr.rel $0x88, $3  }
0x1: {  	(tag) =	ssettag $0x0;
	lr =	simm.s32 $0x1  }
0x2: {  	[smem:$0x3F9B] =	sst lr;
	_ =	strace $0xD0000000  }
0x3: {  	_ = 	snop  }
0x4: {  	_ = 	snop  }
0x5: {  	_ = 	snop  }
0x6: {  	_ = 	snop  }
0x7: {  	_ = 	snop  }
__scs_overlays_trampoline_lowered:
0x8: {  	[smem:$0x3FAA] =	sst s0  }
0x9: {  	[smem:$0x3FAB] =	sst s1  }
0xa: {  	[smem:$0x3FAC] =	sst s2  }
0xb: {  	[smem:$0x3FAD] =	sst s3  }
0xc: {  	[smem:$0x3FAE] =	sst s4  }
0xd: {  	[smem:$0x3FAF] =	sst s5  }
0xe: {  	[smem:$0x3FB0] =	sst s6  }
0xf: {  	[smem:$0x3FB1] =	sst s7  }
0x10: {  	[smem:$0x3FB2] =	sst s8  }
0x11: {  	[smem:$0x3FB3] =	sst s9;
	s0 =	simm.s32 @!p0 $0x0  }
0x12: {  	s1 =	sld [smem:$0x3F99];
	s0 =	simm.s32 @p0 $0x1  }
0x13: {  	[smem:$0x3FB4] =	sst s0;
	s0 =	simm.s32 @!p1 $0x0  }
0x14: {  	s2 =	sld [smem:$0x3F98];
	s0 =	simm.s32 @p1 $0x1  }
0x15: {  	[smem:$0x3FB5] =	sst s0;
	s0 =	simm.s32 @!p2 $0x0  }
0x16: {  	s3 =	sld [smem:$0x3FDB];
	s0 =	simm.s32 @p2 $0x1  }
0x17: {  	s4 =	simm.s32 $0x1BF5;
	[smem:$0x3FB7] =	sst s0  }
0x18: {  	s0 =	sld [smem:$0x3F9A];
	_ =	swait.ge [sflag:s4], $0x0  }
0x19: {  	s7 =	sld [smem:$0x3F9B]  }
0x1a: {  	s8 =	sadd.s32 $0xFFFFE003, lr  }
0x1b: {  	s9 =	sadd.s32 $0xFFFFFEF7, lr;
	s5 =	simm.s32 $0xFFFFFFFF;
	p2 =	slt.u32 s8, $0xFFFFF086  }
0x1c: {  	p1 =	slt.u32 s9, $0xF7A;
	s5 =	simm.s32 @!p2 $0x0  }
0x1d: {  	s5 =	simm.s32 @p1 $0x1;
	p0 =	seq.s32 s7, s2  }
0x1e: {  	s7 =	smul.u32 @!p0 $0xF7A, s2;
	p2 =	seq.s32 @!p0 s5, $0x0  }
0x1f: {  	s9 =	smul.u32 $0xF7A, s1;
	s8 =	simm.s32 @!p0 $0x1BF5;
	p2 =	por !p2, p0  }
0x20: {  	[sflag:s8] =	ssyncset.s32 @!p0 $0xFFFFF086;
	s6 =	sadd.s32 @!p0 s3, s7;
	s7 =	simm.s32 @!p0 $0x108  }
0x21: {  	s3 =	sadd.s32 s3, s9;
	s6 =	sadd.s32 @!p0 $0x88, s6;
	s7 =	simm.s32 @p2 $0x1082  }
0x22: {  	[simem:s7], [sflag:s8] =	dma.local @!p0 [hbm:s6], $0xF7A  }
0x23: {  	s9 =	sor.u32 $0xD0000000, s2;
	s6 =	simm.s32 $0x108;
	_ =	swait.ge @!p0 [sflag:s8], $0x0  }
0x24: {  	s3 =	sadd.s32 $0x88, s3;
	s6 =	simm.s32 @!p1 $0x1082;
	[sflag:s4] =	ssyncset.s32 $0xFFFFF086  }
0x25: {  	[simem:s6], [sflag:s4] =	dma.local [hbm:s3], $0xF7A  }
0x26: {  	[smem:$0x3F9B] =	sst s1;
	(tag) =	ssettag s2;
	_ =	strace s9  }
0x27: {  	s1 =	sld [smem:$0x3FAB]  }
0x28: {  	s2 =	sld [smem:$0x3FAC]  }
0x29: {  	s4 =	sld [smem:$0x3FAE]  }
0x2a: {  	p0 =	seq.s32 s5, $0x0;
	s5 =	sld [smem:$0x3FAF]  }
0x2b: {  	s6 =	sld [smem:$0x3FB0]  }
0x2c: {  	s7 =	sld [smem:$0x3FB1]  }
0x2d: {  	s3 =	simm.s32 $0x108;
	s8 =	sld [smem:$0x3FB2]  }
0x2e: {  	s3 =	simm.s32 @!p0 $0x1082;
	s9 =	sld [smem:$0x3FB3]  }
0x2f: {  	lr =	sadd.s32 s0, s3;
	s0 =	sld [smem:$0x3FAA]  }
0x30: {  	s3 =	sld [smem:$0x3FAD]  }
0x31: {  	[smem:$0x3FB6] =	sst s10  }
0x32: {  	s10 =	sld [smem:$0x3FB4];
	_ =	sdelay $0x3  }
0x33: {  	p0 =	seq.s32 s10, $0x1;
	s10 =	sld [smem:$0x3FB6];
	_ =	sdelay $0x3  }
0x34: {  	[smem:$0x3FB6] =	sst s10  }
0x35: {  	s10 =	sld [smem:$0x3FB5];
	_ =	sdelay $0x3  }
0x36: {  	p1 =	seq.s32 s10, $0x1;
	s10 =	sld [smem:$0x3FB6];
	_ =	sdelay $0x3  }
0x37: {  	[smem:$0x3FB6] =	sst s10  }
0x38: {  	s10 =	sld [smem:$0x3FB7]  }
0x39: {  	_ = 	snop;
	(pc) =	sbr.ind lr, $3  }
0x3a: {  	_ = 	snop  }
0x3b: {  	_ = 	snop  }
0x3c: {  	p2 =	seq.s32 s10, $0x1;
	s10 =	sld [smem:$0x3FB6]  }
0x3d: {  	_ =	shalt  }
0x3e: {  	_ =	shalt  }
0x3f: {  	_ =	shalt  }
0x40: {  	_ =	shalt  }
0x41: {  	_ =	shalt  }
0x42: {  	_ =	shalt  }
0x43: {  	_ =	shalt  }
0x44: {  	_ =	shalt  }
0x45: {  	_ =	shalt  }
0x46: {  	_ =	shalt  }
0x47: {  	_ =	shalt  }
0x48: {  	_ =	shalt  }
0x49: {  	_ =	shalt  }
0x4a: {  	_ =	shalt  }
0x4b: {  	_ =	shalt  }
0x4c: {  	_ =	shalt  }
0x4d: {  	_ =	shalt  }
0x4e: {  	_ =	shalt  }
0x4f: {  	_ =	shalt  }
0x50: {  	_ =	shalt  }
0x51: {  	_ =	shalt  }
0x52: {  	_ =	shalt  }
0x53: {  	_ =	shalt  }
0x54: {  	_ =	shalt  }
0x55: {  	_ =	shalt  }
0x56: {  	_ =	shalt  }
0x57: {  	_ =	shalt  }
0x58: {  	_ =	shalt  }
0x59: {  	_ =	shalt  }
0x5a: {  	_ =	shalt  }
0x5b: {  	_ =	shalt  }
0x5c: {  	_ =	shalt  }
0x5d: {  	_ =	shalt  }
0x5e: {  	_ =	shalt  }
0x5f: {  	_ =	shalt  }
0x60: {  	_ =	shalt  }
0x61: {  	_ =	shalt  }
0x62: {  	_ =	shalt  }
0x63: {  	_ =	shalt  }
0x64: {  	_ =	shalt  }
0x65: {  	_ =	shalt  }
0x66: {  	_ =	shalt  }
0x67: {  	_ =	shalt  }
0x68: {  	_ =	shalt  }
0x69: {  	_ =	shalt  }
0x6a: {  	_ =	shalt  }
0x6b: {  	_ =	shalt  }
0x6c: {  	_ =	shalt  }
0x6d: {  	_ =	shalt  }
0x6e: {  	_ =	shalt  }
0x6f: {  	_ =	shalt  }
0x70: {  	_ =	shalt  }
0x71: {  	_ =	shalt  }
0x72: {  	_ =	shalt  }
0x73: {  	_ =	shalt  }
0x74: {  	_ =	shalt  }
0x75: {  	_ =	shalt  }
0x76: {  	_ =	shalt  }
0x77: {  	_ =	shalt  }
0x78: {  	_ =	shalt  }
0x79: {  	_ =	shalt  }
0x7a: {  	_ =	shalt  }
0x7b: {  	_ =	shalt  }
0x7c: {  	_ =	shalt  }
0x7d: {  	_ =	shalt  }
0x7e: {  	_ =	shalt  }
0x7f: {  	_ =	shalt  }
0x80: {  	_ =	shalt  }
0x81: {  	_ =	shalt  }
0x82: {  	_ =	shalt  }
0x83: {  	_ =	shalt  }
0x84: {  	_ =	shalt  }
0x85: {  	_ =	shalt  }
0x86: {  	_ =	shalt  }
0x87: {  	_ =	shalt  }
.Lfunc_end0:
.L_simem_size_0:
called_computation_lowered:
.L_overlay_start_0:
0x88: {  	s2 =	sld [smem:$0x3FD9]  }
0x89: {  	s3 =	sld [smem:$0x3FFE];
	_ =	sdelay $0x1  }
0x8a: {  	s1 =	srdreg.scid  }
0x8b: {  	s0 =	sand.u32 $0x1, s1  }
0x8c: {  	s17 =	sshll.u32 s0, $0xA;
	s2 =	sadd.s32 s3, s2  }
0x8d: {  	s2 =	sadd.s32 s2, s17  }
0x8e: {  	[smem:$0x3FC2] =	sst s2  }
0x8f: {  	_ = 	snop  }
0x90: {  	s2 =	sld [smem:$0x3FD0];
	(tm) =	ssettm $0x1  }
0x91: {  	s18 =	sld [smem:$0x3FFB];
	_ =	sdelay $0x3  }
0x92: {  	_ =	strace s18  }
0x93: {  	s3 =	sld [smem:$0x3FFC];
	_ =	sdelay $0x3  }
0x94: {  	_ =	strace s3  }
0x95: {  	s3 =	sld [smem:$0x3FFD];
	_ =	sdelay $0x3  }
0x96: {  	_ =	strace s3  }
0x97: {  	_ =	strace $0x8FFFFFFF  }
0x98: {  	s19 =	sld [smem:$0x3FDB];
	_ =	sdelay $0x1  }
0x99: {  	s4 =	simm.s32 $_scs_section_size  }
0x9a: {  	s5 =	simm.s32 $_size__tile_overlayer_lowered;
	s6 =	simm.s32 $_tile_overlayer_lowered  }
0x9b: {  	s22 =	simm.s32 $0x1BFF;
	s21 =	sshll.u32 s6, $0x1;
	s3 =	sadd.s32 s4, s19  }
0x9c: {  	s7 =	simm.s32 $0x0;
	s20 =	sshll.u32 s5, $0x1;
	s5 =	sadd.s32 s21, s3  }
0x9d: {  	[timem:s7], [sflag:s22] =	dma.local [hbm:s5], s20  }
0x9e: {  	_ =	swait.ge [sflag:s22], s20  }
0x9f: {  	s4 =	ssub.s32 $0x0, s20;
	[sflag:s22] =	ssyncset.done $0x0  }
0xa0: {  	[sflag:s22] =	ssyncadd.s32 s4;
	_ =	sdelay $0x1  }
0xa1: {  	s23 =	simm.s32 $0x1B8B  }
0xa2: {  	_ =	swait.ge [sflag:s23], $0x1  }
0xa3: {  	[sflag:s23] =	ssyncset.done $0x0  }
0xa4: {  	s25 =	simm.s32 $0x1B8E;
	s24 =	sld [smem:$0x3FFE];
	[sflag:s23] =	ssyncadd.s32 $0xFFFFFFFF  }
0xa5: {  	s26 =	simm.s32 $execute0_lowered;
	[smem:$0x3FD2] =	sst s25  }
0xa6: {  	s5 =	sshll.u32 s26, $0x1;
	_ =	strace $0x80000046;
	[dreg:$0x1] =	wrdreg $0xFFFFFFFF  }
0xa7: {  	s28 =	simm.s32 $_size_execute0_lowered;
	s3 =	sadd.s32 s3, s5;
	[dreg:$0x0] =	wrdreg $0x0  }
0xa8: {  	s5 =	sshll.u32 s28, $0x1;
	[dreg:$0x2] =	wrdreg s3  }
0xa9: {  	[dreg:$0x3] =	wrdreg s5  }
0xaa: {  	[dreg:$0x4] =	wrdreg $0xC0  }
0xab: {  	_ =	task [dreg:s7], $0x5FFFF  }
0xac: {  	[dreg:$0x1] =	wrdreg $0xFFFFFFFF  }
0xad: {  	[dreg:$0x0] =	wrdreg $0x60  }
0xae: {  	[dreg:$0x2] =	wrdreg s24  }
0xaf: {  	[dreg:$0x3] =	wrdreg s2  }
0xb0: {  	[dreg:$0x4] =	wrdreg $0xA0000  }
0xb1: {  	[dreg:$0x5] =	wrdreg $0x9  }
0xb2: {  	_ =	task.clear_ibuf [dreg:s7], $0x6FFFF;
	_ =	strace $0x90000046  }
0xb3: {  	s29 =	simm.s32 $0x9;
	_ =	strace $0x80000048  }
0xb4: {  	_ =	swait.ge [sflag:s29], $0x1  }
0xb5: {  	[sflag:s29] =	ssyncadd.s32 $0xFFFFFFFF  }
0xb6: {  	_ =	strace $0x90000048  }
0xb7: {  	_ =	sfence  }
0xb8: {  	s30 =	sld [smem:$0x0];
	_ =	sdelay $0x2  }
0xb9: {  	s31 =	sshll.u32 s1, $0xD;
	s1 =	sshrl.u32 s1, $0x2  }
0xba: {  	s3 =	sand.u32 $0x4000, s31;
	s1 =	sadd.s32 s1, s30  }
0xbb: {  	s0 =	sor.u32 s3, s0;
	s1 =	sshll.u32 s1, $0x11  }
0xbc: {  	s0 =	sor.u32 s1, s0  }
0xbd: {  	s0 =	sadd.s32 $0x8F2B, s0  }
0xbe: {  	[sflag:s0] =	ssyncadd.remote.s32 $0x1  }
0xbf: {  	_ =	sfence.sel $0xFFFF  }
0xc0: {  	[dreg:$0x0] =	wrdreg $0xFFFFFFFF;
	(pc) =	sbr.abs _section_cstart, $3  }
0xc1: {  	[dreg:$0x1] =	wrdreg $0xFFFFFFFF  }
0xc2: {  	_ =	task.clear_ibuf [dreg:s7], $0x2FFFF;
	_ =	strace $0x9FFFFFFF  }
0xc3: {  	(tm) =	ssettm $0x7FFFFFFF  }
tec
execute0_lowered:
.L_overlay_start_1:
0x0: {  	(tag) =	ssettag $0x1  }
0x1: {  	s0 =	rddreg [dreg:$0x0]  }
0x2: {  	s3 =	rddreg [dreg:$0x1]  }
0x3: {  	s2 =	rddreg [dreg:$0x2];
	s1 =	simm.s32 $0x0  }
0x4: {  	s4 =	srdreg.scid;
	s28 =	simm.s32 $0x80;
	s29 =	simm.s32 $0x1  }
0x5: {  	s30 =	simm.s32 $0x6000;
	s31 =	simm.s32 $0x2;
	[smem:$0x7FF] =	sst s1  }
0x6: {  	s1 =	stileid.u32;
	s9 =	sand.u32 $0x1, s4;
	s4 =	sadd.s32 $0xAE00, s0  }
0x7: {  	s10 =	sadd.s32 $0xE00, s0;
	s0 =	sadd.s32 $0x429A00, s0;
	s5 =	smul.u32 $0x4F000, s1  }
0x8: {  	_ =	strace $0x80000047;
	s6 =	ssub.s32 $0x2, s9;
	s13 =	smul.u32 $0x5000, s1  }
0x9: {  	s12 =	sshll.u32 s1, $0x9;
	s14 =	smul.u32 $0x14000, s1;
	s17 =	sshll.u32 s1, $0xB  }
0xa: {  	s25 =	smul.u32 $0x2780, s1;
	p0 =	sne.s32 s9, $0x0;
	s9 =	simm.s32 $0x1F80  }
0xb: {  	s7 =	sshrl.u32 s6, $0x1;
	s12 =	sor.u32 $0x8000, s12;
	s20 =	sadd.s32 s10, s17  }
0xc: {  	s22 =	sadd.s32 s3, s17;
	s23 =	sor.u32 $0x200, s17;
	s16 =	sor.u32 $0x400, s17  }
0xd: {  	s18 =	sor.u32 $0x600, s17;
	s5 =	sshrl.u32 s5, $0x2;
	s11 =	ssub.s32 s6, s7  }
0xe: {  	s15 =	sadd.s32 s10, s12;
	s12 =	sadd.s32 s3, s12;
	[dreg:$0x6] =	wrdreg s20  }
0xf: {  	s19 =	sshrl.u32 s13, $0x3;
	s21 =	sshrl.u32 s14, $0x2;
	[dreg:$0x7] =	wrdreg s22  }
0x10: {  	s24 =	sadd.s32 s10, s23;
	s14 =	sadd.s32 s3, s23;
	s17 =	sadd.s32 s10, s18  }
0x11: {  	s18 =	sadd.s32 s3, s18;
	s23 =	simm.s32 $0x2000;
	[dreg:$0x4] =	wrdreg s15  }
0x12: {  	s5 =	sadd.s32 s5, s2;
	[dreg:$0x5] =	wrdreg s12;
	s12 =	sadd.s32 s0, s19  }
0x13: {  	[dreg:$0x8] =	wrdreg s24;
	s15 =	sadd.s32 s10, s16;
	s16 =	sadd.s32 s3, s16  }
.Ltmp0:
0x14: {  	s26 =	sadd.s32 s21, s2;
	s21 =	sadd.s32 s0, s25;
	(pc) =	sbr.rel .LBB2_1-.Ltmp0, $4  }
0x15: {  	s22 =	smax.u32 s11, $0x1;
	s24 =	simm.s32 $0x3;
	s0 =	simm.s32 $0xF80  }
0x16: {  	s3 =	simm.s32 $0x1F00;
	s10 =	simm.s32 $0x0;
	s6 =	sadd.s32 $0x4000, s5  }
0x17: {  	s7 =	sadd.s32 $0x8000, s5;
	s8 =	sadd.s32 $0xC000, s5;
	s19 =	sadd.s32 $0x10000, s5  }
0x18: {  	v0 =	vimm.f32 $0.0e+00;
	s20 =	sadd.s32 $0x27800, s12;
	s25 =	sshrl.u32 s26, $0x3;
	s26 =	simm.s32 $0x1000  }
.LBB2_15:
0x19: {  	[sflag:s24] =	ssyncadd.s32 $0xFFFFC000  }
0x1a: {  	_ =	swait.ge [sflag:s29], $0x4000  }
0x1b: {  	[sflag:s29] =	ssyncset.done $0x0  }
0x1c: {  	[sflag:s29] =	ssyncadd.s32 $0xFFFFC000  }
0x1d: {  	[tilespmem:s30], [sflag:$0x2] =	stream.indirect.gather [hbm4b:s4+s28], $0x80, s0, s28, $0xb8;
	[tilespmem:$0x1DC00] =	vst v63  }
0x1e: {  	_ = 	snop  }
0x1f: {  	[spmem:s2] =	stream.indirect.scatter.add.f32 [tilespmem:s23], [sflag:$0x3], $0x80, s3, s28, $0xb8;
	[tilespmem:$0x1DC00] =	vst v63  }
0x20: {  	_ =	swait.ge [sflag:s24], $0x4000  }
0x21: {  	[sflag:s24] =	ssyncset.done $0x0  }
0x22: {  	[sflag:s24] =	ssyncadd.s32 $0xFFFFC000  }
0x23: {  	_ =	swait.ge [sflag:s31], $0x4000  }
0x24: {  	[sflag:s31] =	ssyncset.done $0x0  }
0x25: {  	[sflag:s31] =	ssyncadd.s32 $0xFFFFC000  }
0x26: {  	[spmem:s2] =	stream.indirect.scatter.add.f32 [tilespmem:s30], [sflag:$0x3], $0x80, s9, s28, $0xb8;
	[tilespmem:$0x1DC00] =	vst v63  }
0x27: {  	_ =	swait.ge [sflag:s24], $0x4000  }
0x28: {  	[sflag:s24] =	ssyncset.done $0x0  }
0x29: {  	s11 =	sshll.u32 s1, $0x6;
	[sflag:s24] =	ssyncadd.s32 $0xFFFFC000  }
0x2a: {  	s11 =	sor.u32 $0x1C03, s11;
	[bflag:$0x0] =	sbarrier.arrive $0xFFFF  }
0x2b: {  	[hbm:s20], [sflag:s11] =	dma.local [spmem:s25], $0xA00  }
0x2c: {  	_ =	swait.ge [sflag:s24], $0xA00  }
0x2d: {  	[sflag:s24] =	ssyncset.done $0x0  }
0x2e: {  	[sflag:s24] =	ssyncadd.s32 $0xFFFFF600  }
.LBB2_16:
0x2f: {  	s10 =	sadd.s32 $0x1, s10  }
0x30: {  	p1 =	sne.s32 s10, s22  }
.Ltmp1:
0x31: {  	_ = 	snop;
	(pc) =	sbr.rel @!p1 .LBB2_17-.Ltmp1, $1  }
0x32: {  	_ =	sdelay $0x3  }
.LBB2_1:
0x33: {  	s12 =	simm.s32 $0x0  }
0x34: {  	s11 =	simm.s32 $0x10;
	s12 =	sand.u32 $0x3FF0, s12  }
.LBB2_2:
0x35: {  	p1 =	sne.s32 s11, $0x3FF0;
	[tilespmem:s12+$0x2000] =	vst v0;
	s12 =	smov.u32 s11;
	s11 =	sadd.s32 $0x10, s11  }
.Ltmp2:
0x36: {  	(pc) =	sbr.rel @p1 .LBB2_2-.Ltmp2, $2  }
0x37: {  	_ =	sdelay $0x2  }
0x38: {  	s12 =	sand.u32 $0x3FF0, s12  }
0x39: {  	[tilespmem:s12+$0x2000] =	vst v0  }
0x3a: {  	[spmem:s5] =	stream.linear.scatter [tilespmem:s23], [sflag:$0x3], $0x4000, $0x38;
	[tilespmem:$0x1DC00] =	vst v63  }
0x3b: {  	_ =	swait.ge [sflag:s24], $0x4000  }
0x3c: {  	[sflag:s24] =	ssyncset.done $0x0  }
0x3d: {  	[sflag:s24] =	ssyncadd.s32 $0xFFFFC000  }
0x3e: {  	[spmem:s6] =	stream.linear.scatter [tilespmem:s23], [sflag:$0x3], $0x4000, $0x38;
	[tilespmem:$0x1DC00] =	vst v63  }
0x3f: {  	_ =	swait.ge [sflag:s24], $0x4000  }
0x40: {  	[sflag:s24] =	ssyncset.done $0x0  }
0x41: {  	[sflag:s24] =	ssyncadd.s32 $0xFFFFC000  }
0x42: {  	[spmem:s7] =	stream.linear.scatter [tilespmem:s23], [sflag:$0x3], $0x4000, $0x38;
	[tilespmem:$0x1DC00] =	vst v63  }
0x43: {  	_ =	swait.ge [sflag:s24], $0x4000  }
0x44: {  	[sflag:s24] =	ssyncset.done $0x0  }
0x45: {  	[sflag:s24] =	ssyncadd.s32 $0xFFFFC000  }
0x46: {  	[spmem:s8] =	stream.linear.scatter [tilespmem:s23], [sflag:$0x3], $0x4000, $0x38;
	[tilespmem:$0x1DC00] =	vst v63  }
0x47: {  	_ =	swait.ge [sflag:s24], $0x4000  }
0x48: {  	[sflag:s24] =	ssyncset.done $0x0  }
0x49: {  	[sflag:s24] =	ssyncadd.s32 $0xFFFFC000  }
0x4a: {  	[spmem:s19] =	stream.linear.scatter [tilespmem:s23], [sflag:$0x3], $0x3C00, $0x38;
	[tilespmem:$0x1DC00] =	vst v63  }
.Ltmp3:
0x4b: {  	_ =	swait.ge [sflag:s24], $0x3C00;
	(pc) =	sbr.rel @p0 .LBB2_13-.Ltmp3, $4  }
0x4c: {  	[sflag:s24] =	ssyncset.done $0x0  }
0x4d: {  	[sflag:s24] =	ssyncadd.s32 $0xFFFFC400  }
0x4e: {  	[bflag:$0x0] =	sbarrier.arrive $0xFFFF  }
0x4f: {  	s11 =	simm.s32 $0x0  }
0x50: {  	s12 =	rddreg [dreg:$0x6]  }
0x51: {  	[tilespmem:s11], [sflag:$0x3] =	stream.linear.gather [hbm4b:s12+s11], $0x1000, $0x38;
	[tilespmem:$0x1DC00] =	vst v63  }
0x52: {  	_ =	swait.ge [sflag:s24], $0x1000  }
0x53: {  	[sflag:s24] =	ssyncset.done $0x0  }
0x54: {  	s13 =	rddreg [dreg:$0x7];
	[sflag:s24] =	ssyncadd.s32 $0xFFFFF000  }
0x55: {  	[tilespmem:s26], [sflag:$0x3] =	stream.linear.gather [hbm4b:s13+s11], $0x1000, $0x38;
	[tilespmem:$0x1DC00] =	vst v63  }
0x56: {  	_ =	swait.ge [sflag:s24], $0x1000  }
0x57: {  	[sflag:s24] =	ssyncset.done $0x0  }
0x58: {  	[sflag:s24] =	ssyncadd.s32 $0xFFFFF000  }
0x59: {  	[tilespmem:s23], [sflag:$0x1] =	stream.indirect.gather [hbm4b:s4+s28], $0x80, s11, s28, $0xb8;
	[tilespmem:$0x1DC00] =	vst v63  }
0x5a: {  	_ =	swait.ge [sflag:s29], $0x4000  }
0x5b: {  	[sflag:s29] =	ssyncset.done $0x0  }
0x5c: {  	s12 =	simm.s32 $0x80;
	[sflag:s29] =	ssyncadd.s32 $0xFFFFC000  }
0x5d: {  	[tilespmem:s30], [sflag:$0x2] =	stream.indirect.gather [hbm4b:s4+s28], $0x80, s12, s28, $0xb8;
	[tilespmem:$0x1DC00] =	vst v63  }
0x5e: {  	s13 =	simm.s32 $0x1000  }
0x5f: {  	[spmem:s2] =	stream.indirect.scatter.add.f32 [tilespmem:s23], [sflag:$0x3], $0x80, s13, s28, $0xb8;
	[tilespmem:$0x1DC00] =	vst v63  }
0x60: {  	_ =	swait.ge [sflag:s24], $0x4000  }
0x61: {  	[sflag:s24] =	ssyncset.done $0x0  }
0x62: {  	[sflag:s24] =	ssyncadd.s32 $0xFFFFC000  }
0x63: {  	_ =	swait.ge [sflag:s31], $0x4000  }
0x64: {  	[sflag:s31] =	ssyncset.done $0x0  }
0x65: {  	s12 =	simm.s32 $0x100;
	[sflag:s31] =	ssyncadd.s32 $0xFFFFC000  }
0x66: {  	[tilespmem:s23], [sflag:$0x1] =	stream.indirect.gather [hbm4b:s4+s28], $0x80, s12, s28, $0xb8;
	[tilespmem:$0x1DC00] =	vst v63  }
0x67: {  	s13 =	simm.s32 $0x1080  }
0x68: {  	[spmem:s2] =	stream.indirect.scatter.add.f32 [tilespmem:s30], [sflag:$0x3], $0x80, s13, s28, $0xb8;
	[tilespmem:$0x1DC00] =	vst v63  }
0x69: {  	_ =	swait.ge [sflag:s24], $0x4000  }
0x6a: {  	s11 =	simm.s32 $0x400;
	[sflag:s24] =	ssyncset.done $0x0  }
.LBB2_5:
0x6b: {  	p1 =	sne.s32 s11, $0x3800  }
0x6c: {  	[sflag:s24] =	ssyncadd.s32 $0xFFFFC000;
	s12 =	smov.u32 s11;
	s11 =	sadd.s32 $0x400, s11  }
0x6d: {  	_ = 	snop  }
0x6e: {  	_ =	swait.ge [sflag:s29], $0x4000  }
0x6f: {  	s12 =	sshra.s32 s12, $0x2;
	[sflag:s29] =	ssyncset.done $0x0  }
0x70: {  	s13 =	sadd.s32 $0x80, s12;
	[sflag:s29] =	ssyncadd.s32 $0xFFFFC000  }
0x71: {  	[tilespmem:s30], [sflag:$0x2] =	stream.indirect.gather [hbm4b:s4+s28], $0x80, s13, s28, $0xb8;
	[tilespmem:$0x1DC00] =	vst v63  }
0x72: {  	s13 =	sadd.s32 $0x1000, s12  }
0x73: {  	[spmem:s2] =	stream.indirect.scatter.add.f32 [tilespmem:s23], [sflag:$0x3], $0x80, s13, s28, $0xb8;
	[tilespmem:$0x1DC00] =	vst v63  }
0x74: {  	_ =	swait.ge [sflag:s24], $0x4000  }
0x75: {  	[sflag:s24] =	ssyncset.done $0x0  }
0x76: {  	[sflag:s24] =	ssyncadd.s32 $0xFFFFC000  }
0x77: {  	_ =	swait.ge [sflag:s31], $0x4000  }
0x78: {  	[sflag:s31] =	ssyncset.done $0x0  }
0x79: {  	s13 =	sadd.s32 $0x100, s12;
	[sflag:s31] =	ssyncadd.s32 $0xFFFFC000  }
0x7a: {  	[tilespmem:s23], [sflag:$0x1] =	stream.indirect.gather [hbm4b:s4+s28], $0x80, s13, s28, $0xb8;
	[tilespmem:$0x1DC00] =	vst v63  }
.Ltmp4:
0x7b: {  	_ = 	snop;
	(pc) =	sbr.rel @p1 .LBB2_5-.Ltmp4, $4  }
0x7c: {  	s12 =	sadd.s32 $0x1080, s12  }
0x7d: {  	[spmem:s2] =	stream.indirect.scatter.add.f32 [tilespmem:s30], [sflag:$0x3], $0x80, s12, s28, $0xb8;
	[tilespmem:$0x1DC00] =	vst v63  }
0x7e: {  	_ =	swait.ge [sflag:s24], $0x4000  }
0x7f: {  	[sflag:s24] =	ssyncset.done $0x0  }
0x80: {  	[sflag:s24] =	ssyncadd.s32 $0xFFFFC000  }
0x81: {  	_ =	swait.ge [sflag:s29], $0x4000  }
0x82: {  	[sflag:s29] =	ssyncset.done $0x0  }
0x83: {  	[sflag:s29] =	ssyncadd.s32 $0xFFFFC000  }
0x84: {  	[tilespmem:s30], [sflag:$0x2] =	stream.indirect.gather [hbm4b:s4+s28], $0x80, s0, s28, $0xb8;
	[tilespmem:$0x1DC00] =	vst v63  }
0x85: {  	_ = 	snop  }
0x86: {  	[spmem:s2] =	stream.indirect.scatter.add.f32 [tilespmem:s23], [sflag:$0x3], $0x80, s3, s28, $0xb8;
	[tilespmem:$0x1DC00] =	vst v63  }
0x87: {  	_ =	swait.ge [sflag:s24], $0x4000  }
0x88: {  	[sflag:s24] =	ssyncset.done $0x0  }
0x89: {  	[sflag:s24] =	ssyncadd.s32 $0xFFFFC000  }
0x8a: {  	_ =	swait.ge [sflag:s31], $0x4000  }
0x8b: {  	[sflag:s31] =	ssyncset.done $0x0  }
0x8c: {  	[sflag:s31] =	ssyncadd.s32 $0xFFFFC000  }
0x8d: {  	[spmem:s2] =	stream.indirect.scatter.add.f32 [tilespmem:s30], [sflag:$0x3], $0x80, s9, s28, $0xb8;
	[tilespmem:$0x1DC00] =	vst v63  }
0x8e: {  	_ =	swait.ge [sflag:s24], $0x4000  }
0x8f: {  	[sflag:s24] =	ssyncset.done $0x0  }
0x90: {  	s11 =	simm.s32 $0x0;
	s12 =	rddreg [dreg:$0x8];
	[sflag:s24] =	ssyncadd.s32 $0xFFFFC000  }
0x91: {  	[tilespmem:s11], [sflag:$0x3] =	stream.linear.gather [hbm4b:s12+s11], $0x1000, $0x38;
	[tilespmem:$0x1DC00] =	vst v63  }
0x92: {  	_ =	swait.ge [sflag:s24], $0x1000  }
0x93: {  	[sflag:s24] =	ssyncset.done $0x0  }
0x94: {  	[sflag:s24] =	ssyncadd.s32 $0xFFFFF000  }
0x95: {  	[tilespmem:s26], [sflag:$0x3] =	stream.linear.gather [hbm4b:s14+s11], $0x1000, $0x38;
	[tilespmem:$0x1DC00] =	vst v63  }
0x96: {  	_ =	swait.ge [sflag:s24], $0x1000  }
0x97: {  	[sflag:s24] =	ssyncset.done $0x0  }
0x98: {  	[sflag:s24] =	ssyncadd.s32 $0xFFFFF000  }
0x99: {  	[tilespmem:s23], [sflag:$0x1] =	stream.indirect.gather [hbm4b:s4+s28], $0x80, s11, s28, $0xb8;
	[tilespmem:$0x1DC00] =	vst v63  }
0x9a: {  	_ =	swait.ge [sflag:s29], $0x4000  }
0x9b: {  	[sflag:s29] =	ssyncset.done $0x0  }
0x9c: {  	s12 =	simm.s32 $0x80;
	[sflag:s29] =	ssyncadd.s32 $0xFFFFC000  }
0x9d: {  	[tilespmem:s30], [sflag:$0x2] =	stream.indirect.gather [hbm4b:s4+s28], $0x80, s12, s28, $0xb8;
	[tilespmem:$0x1DC00] =	vst v63  }
0x9e: {  	s13 =	simm.s32 $0x1000  }
0x9f: {  	[spmem:s2] =	stream.indirect.scatter.add.f32 [tilespmem:s23], [sflag:$0x3], $0x80, s13, s28, $0xb8;
	[tilespmem:$0x1DC00] =	vst v63  }
0xa0: {  	_ =	swait.ge [sflag:s24], $0x4000  }
0xa1: {  	[sflag:s24] =	ssyncset.done $0x0  }
0xa2: {  	[sflag:s24] =	ssyncadd.s32 $0xFFFFC000  }
0xa3: {  	_ =	swait.ge [sflag:s31], $0x4000  }
0xa4: {  	[sflag:s31] =	ssyncset.done $0x0  }
0xa5: {  	s12 =	simm.s32 $0x100;
	[sflag:s31] =	ssyncadd.s32 $0xFFFFC000  }
0xa6: {  	[tilespmem:s23], [sflag:$0x1] =	stream.indirect.gather [hbm4b:s4+s28], $0x80, s12, s28, $0xb8;
	[tilespmem:$0x1DC00] =	vst v63  }
0xa7: {  	s13 =	simm.s32 $0x1080  }
0xa8: {  	[spmem:s2] =	stream.indirect.scatter.add.f32 [tilespmem:s30], [sflag:$0x3], $0x80, s13, s28, $0xb8;
	[tilespmem:$0x1DC00] =	vst v63  }
0xa9: {  	_ =	swait.ge [sflag:s24], $0x4000  }
0xaa: {  	s11 =	simm.s32 $0x400;
	[sflag:s24] =	ssyncset.done $0x0  }
.LBB2_7:
0xab: {  	p1 =	sne.s32 s11, $0x3800  }
0xac: {  	[sflag:s24] =	ssyncadd.s32 $0xFFFFC000;
	s12 =	smov.u32 s11;
	s11 =	sadd.s32 $0x400, s11  }
0xad: {  	_ = 	snop  }
0xae: {  	_ =	swait.ge [sflag:s29], $0x4000  }
0xaf: {  	s12 =	sshra.s32 s12, $0x2;
	[sflag:s29] =	ssyncset.done $0x0  }
0xb0: {  	s13 =	sadd.s32 $0x80, s12;
	[sflag:s29] =	ssyncadd.s32 $0xFFFFC000  }
0xb1: {  	[tilespmem:s30], [sflag:$0x2] =	stream.indirect.gather [hbm4b:s4+s28], $0x80, s13, s28, $0xb8;
	[tilespmem:$0x1DC00] =	vst v63  }
0xb2: {  	s13 =	sadd.s32 $0x1000, s12  }
0xb3: {  	[spmem:s2] =	stream.indirect.scatter.add.f32 [tilespmem:s23], [sflag:$0x3], $0x80, s13, s28, $0xb8;
	[tilespmem:$0x1DC00] =	vst v63  }
0xb4: {  	_ =	swait.ge [sflag:s24], $0x4000  }
0xb5: {  	[sflag:s24] =	ssyncset.done $0x0  }
0xb6: {  	[sflag:s24] =	ssyncadd.s32 $0xFFFFC000  }
0xb7: {  	_ =	swait.ge [sflag:s31], $0x4000  }
0xb8: {  	[sflag:s31] =	ssyncset.done $0x0  }
0xb9: {  	s13 =	sadd.s32 $0x100, s12;
	[sflag:s31] =	ssyncadd.s32 $0xFFFFC000  }
0xba: {  	[tilespmem:s23], [sflag:$0x1] =	stream.indirect.gather [hbm4b:s4+s28], $0x80, s13, s28, $0xb8;
	[tilespmem:$0x1DC00] =	vst v63  }
.Ltmp5:
0xbb: {  	_ = 	snop;
	(pc) =	sbr.rel @p1 .LBB2_7-.Ltmp5, $4  }
0xbc: {  	s12 =	sadd.s32 $0x1080, s12  }
0xbd: {  	[spmem:s2] =	stream.indirect.scatter.add.f32 [tilespmem:s30], [sflag:$0x3], $0x80, s12, s28, $0xb8;
	[tilespmem:$0x1DC00] =	vst v63  }
0xbe: {  	_ =	swait.ge [sflag:s24], $0x4000  }
0xbf: {  	[sflag:s24] =	ssyncset.done $0x0  }
0xc0: {  	[sflag:s24] =	ssyncadd.s32 $0xFFFFC000  }
0xc1: {  	_ =	swait.ge [sflag:s29], $0x4000  }
0xc2: {  	[sflag:s29] =	ssyncset.done $0x0  }
0xc3: {  	[sflag:s29] =	ssyncadd.s32 $0xFFFFC000  }
0xc4: {  	[tilespmem:s30], [sflag:$0x2] =	stream.indirect.gather [hbm4b:s4+s28], $0x80, s0, s28, $0xb8;
	[tilespmem:$0x1DC00] =	vst v63  }
0xc5: {  	_ = 	snop  }
0xc6: {  	[spmem:s2] =	stream.indirect.scatter.add.f32 [tilespmem:s23], [sflag:$0x3], $0x80, s3, s28, $0xb8;
	[tilespmem:$0x1DC00] =	vst v63  }
0xc7: {  	_ =	swait.ge [sflag:s24], $0x4000  }
0xc8: {  	[sflag:s24] =	ssyncset.done $0x0  }
0xc9: {  	[sflag:s24] =	ssyncadd.s32 $0xFFFFC000  }
0xca: {  	_ =	swait.ge [sflag:s31], $0x4000  }
0xcb: {  	[sflag:s31] =	ssyncset.done $0x0  }
0xcc: {  	[sflag:s31] =	ssyncadd.s32 $0xFFFFC000  }
0xcd: {  	[spmem:s2] =	stream.indirect.scatter.add.f32 [tilespmem:s30], [sflag:$0x3], $0x80, s9, s28, $0xb8;
	[tilespmem:$0x1DC00] =	vst v63  }
0xce: {  	_ =	swait.ge [sflag:s24], $0x4000  }
0xcf: {  	[sflag:s24] =	ssyncset.done $0x0  }
0xd0: {  	s11 =	simm.s32 $0x0;
	[sflag:s24] =	ssyncadd.s32 $0xFFFFC000  }
0xd1: {  	[tilespmem:s11], [sflag:$0x3] =	stream.linear.gather [hbm4b:s15+s11], $0x1000, $0x38;
	[tilespmem:$0x1DC00] =	vst v63  }
0xd2: {  	_ =	swait.ge [sflag:s24], $0x1000  }
0xd3: {  	[sflag:s24] =	ssyncset.done $0x0  }
0xd4: {  	[sflag:s24] =	ssyncadd.s32 $0xFFFFF000  }
0xd5: {  	[tilespmem:s26], [sflag:$0x3] =	stream.linear.gather [hbm4b:s16+s11], $0x1000, $0x38;
	[tilespmem:$0x1DC00] =	vst v63  }
0xd6: {  	_ =	swait.ge [sflag:s24], $0x1000  }
0xd7: {  	[sflag:s24] =	ssyncset.done $0x0  }
0xd8: {  	[sflag:s24] =	ssyncadd.s32 $0xFFFFF000  }
0xd9: {  	[tilespmem:s23], [sflag:$0x1] =	stream.indirect.gather [hbm4b:s4+s28], $0x80, s11, s28, $0xb8;
	[tilespmem:$0x1DC00] =	vst v63  }
0xda: {  	_ =	swait.ge [sflag:s29], $0x4000  }
0xdb: {  	[sflag:s29] =	ssyncset.done $0x0  }
0xdc: {  	s12 =	simm.s32 $0x80;
	[sflag:s29] =	ssyncadd.s32 $0xFFFFC000  }
0xdd: {  	[tilespmem:s30], [sflag:$0x2] =	stream.indirect.gather [hbm4b:s4+s28], $0x80, s12, s28, $0xb8;
	[tilespmem:$0x1DC00] =	vst v63  }
0xde: {  	s13 =	simm.s32 $0x1000  }
0xdf: {  	[spmem:s2] =	stream.indirect.scatter.add.f32 [tilespmem:s23], [sflag:$0x3], $0x80, s13, s28, $0xb8;
	[tilespmem:$0x1DC00] =	vst v63  }
0xe0: {  	_ =	swait.ge [sflag:s24], $0x4000  }
0xe1: {  	[sflag:s24] =	ssyncset.done $0x0  }
0xe2: {  	[sflag:s24] =	ssyncadd.s32 $0xFFFFC000  }
0xe3: {  	_ =	swait.ge [sflag:s31], $0x4000  }
0xe4: {  	[sflag:s31] =	ssyncset.done $0x0  }
0xe5: {  	s12 =	simm.s32 $0x100;
	[sflag:s31] =	ssyncadd.s32 $0xFFFFC000  }
0xe6: {  	[tilespmem:s23], [sflag:$0x1] =	stream.indirect.gather [hbm4b:s4+s28], $0x80, s12, s28, $0xb8;
	[tilespmem:$0x1DC00] =	vst v63  }
0xe7: {  	s13 =	simm.s32 $0x1080  }
0xe8: {  	[spmem:s2] =	stream.indirect.scatter.add.f32 [tilespmem:s30], [sflag:$0x3], $0x80, s13, s28, $0xb8;
	[tilespmem:$0x1DC00] =	vst v63  }
0xe9: {  	_ =	swait.ge [sflag:s24], $0x4000  }
0xea: {  	s11 =	simm.s32 $0x400;
	[sflag:s24] =	ssyncset.done $0x0  }
.LBB2_9:
0xeb: {  	p1 =	sne.s32 s11, $0x3800  }
0xec: {  	[sflag:s24] =	ssyncadd.s32 $0xFFFFC000;
	s12 =	smov.u32 s11;
	s11 =	sadd.s32 $0x400, s11  }
0xed: {  	_ = 	snop  }
0xee: {  	_ =	swait.ge [sflag:s29], $0x4000  }
0xef: {  	s12 =	sshra.s32 s12, $0x2;
	[sflag:s29] =	ssyncset.done $0x0  }
0xf0: {  	s13 =	sadd.s32 $0x80, s12;
	[sflag:s29] =	ssyncadd.s32 $0xFFFFC000  }
0xf1: {  	[tilespmem:s30], [sflag:$0x2] =	stream.indirect.gather [hbm4b:s4+s28], $0x80, s13, s28, $0xb8;
	[tilespmem:$0x1DC00] =	vst v63  }
0xf2: {  	s13 =	sadd.s32 $0x1000, s12  }
0xf3: {  	[spmem:s2] =	stream.indirect.scatter.add.f32 [tilespmem:s23], [sflag:$0x3], $0x80, s13, s28, $0xb8;
	[tilespmem:$0x1DC00] =	vst v63  }
0xf4: {  	_ =	swait.ge [sflag:s24], $0x4000  }
0xf5: {  	[sflag:s24] =	ssyncset.done $0x0  }
0xf6: {  	[sflag:s24] =	ssyncadd.s32 $0xFFFFC000  }
0xf7: {  	_ =	swait.ge [sflag:s31], $0x4000  }
0xf8: {  	[sflag:s31] =	ssyncset.done $0x0  }
0xf9: {  	s13 =	sadd.s32 $0x100, s12;
	[sflag:s31] =	ssyncadd.s32 $0xFFFFC000  }
0xfa: {  	[tilespmem:s23], [sflag:$0x1] =	stream.indirect.gather [hbm4b:s4+s28], $0x80, s13, s28, $0xb8;
	[tilespmem:$0x1DC00] =	vst v63  }
.Ltmp6:
0xfb: {  	_ = 	snop;
	(pc) =	sbr.rel @p1 .LBB2_9-.Ltmp6, $4  }
0xfc: {  	s12 =	sadd.s32 $0x1080, s12  }
0xfd: {  	[spmem:s2] =	stream.indirect.scatter.add.f32 [tilespmem:s30], [sflag:$0x3], $0x80, s12, s28, $0xb8;
	[tilespmem:$0x1DC00] =	vst v63  }
0xfe: {  	_ =	swait.ge [sflag:s24], $0x4000  }
0xff: {  	[sflag:s24] =	ssyncset.done $0x0  }
0x100: {  	[sflag:s24] =	ssyncadd.s32 $0xFFFFC000  }
0x101: {  	_ =	swait.ge [sflag:s29], $0x4000  }
0x102: {  	[sflag:s29] =	ssyncset.done $0x0  }
0x103: {  	[sflag:s29] =	ssyncadd.s32 $0xFFFFC000  }
0x104: {  	[tilespmem:s30], [sflag:$0x2] =	stream.indirect.gather [hbm4b:s4+s28], $0x80, s0, s28, $0xb8;
	[tilespmem:$0x1DC00] =	vst v63  }
0x105: {  	_ = 	snop  }
0x106: {  	[spmem:s2] =	stream.indirect.scatter.add.f32 [tilespmem:s23], [sflag:$0x3], $0x80, s3, s28, $0xb8;
	[tilespmem:$0x1DC00] =	vst v63  }
0x107: {  	_ =	swait.ge [sflag:s24], $0x4000  }
0x108: {  	[sflag:s24] =	ssyncset.done $0x0  }
0x109: {  	[sflag:s24] =	ssyncadd.s32 $0xFFFFC000  }
0x10a: {  	_ =	swait.ge [sflag:s31], $0x4000  }
0x10b: {  	[sflag:s31] =	ssyncset.done $0x0  }
0x10c: {  	[sflag:s31] =	ssyncadd.s32 $0xFFFFC000  }
0x10d: {  	[spmem:s2] =	stream.indirect.scatter.add.f32 [tilespmem:s30], [sflag:$0x3], $0x80, s9, s28, $0xb8;
	[tilespmem:$0x1DC00] =	vst v63  }
0x10e: {  	_ =	swait.ge [sflag:s24], $0x4000  }
0x10f: {  	[sflag:s24] =	ssyncset.done $0x0  }
0x110: {  	s11 =	simm.s32 $0x0;
	[sflag:s24] =	ssyncadd.s32 $0xFFFFC000  }
0x111: {  	[tilespmem:s11], [sflag:$0x3] =	stream.linear.gather [hbm4b:s17+s11], $0x1000, $0x38;
	[tilespmem:$0x1DC00] =	vst v63  }
0x112: {  	_ =	swait.ge [sflag:s24], $0x1000  }
0x113: {  	[sflag:s24] =	ssyncset.done $0x0  }
0x114: {  	[sflag:s24] =	ssyncadd.s32 $0xFFFFF000  }
0x115: {  	[tilespmem:s26], [sflag:$0x3] =	stream.linear.gather [hbm4b:s18+s11], $0x1000, $0x38;
	[tilespmem:$0x1DC00] =	vst v63  }
0x116: {  	_ =	swait.ge [sflag:s24], $0x1000  }
0x117: {  	[sflag:s24] =	ssyncset.done $0x0  }
0x118: {  	[sflag:s24] =	ssyncadd.s32 $0xFFFFF000  }
0x119: {  	[tilespmem:s23], [sflag:$0x1] =	stream.indirect.gather [hbm4b:s4+s28], $0x80, s11, s28, $0xb8;
	[tilespmem:$0x1DC00] =	vst v63  }
0x11a: {  	_ =	swait.ge [sflag:s29], $0x4000  }
0x11b: {  	[sflag:s29] =	ssyncset.done $0x0  }
0x11c: {  	s12 =	simm.s32 $0x80;
	[sflag:s29] =	ssyncadd.s32 $0xFFFFC000  }
0x11d: {  	[tilespmem:s30], [sflag:$0x2] =	stream.indirect.gather [hbm4b:s4+s28], $0x80, s12, s28, $0xb8;
	[tilespmem:$0x1DC00] =	vst v63  }
0x11e: {  	s13 =	simm.s32 $0x1000  }
0x11f: {  	[spmem:s2] =	stream.indirect.scatter.add.f32 [tilespmem:s23], [sflag:$0x3], $0x80, s13, s28, $0xb8;
	[tilespmem:$0x1DC00] =	vst v63  }
0x120: {  	_ =	swait.ge [sflag:s24], $0x4000  }
0x121: {  	[sflag:s24] =	ssyncset.done $0x0  }
0x122: {  	[sflag:s24] =	ssyncadd.s32 $0xFFFFC000  }
0x123: {  	_ =	swait.ge [sflag:s31], $0x4000  }
0x124: {  	[sflag:s31] =	ssyncset.done $0x0  }
0x125: {  	s12 =	simm.s32 $0x100;
	[sflag:s31] =	ssyncadd.s32 $0xFFFFC000  }
0x126: {  	[tilespmem:s23], [sflag:$0x1] =	stream.indirect.gather [hbm4b:s4+s28], $0x80, s12, s28, $0xb8;
	[tilespmem:$0x1DC00] =	vst v63  }
0x127: {  	s13 =	simm.s32 $0x1080  }
0x128: {  	[spmem:s2] =	stream.indirect.scatter.add.f32 [tilespmem:s30], [sflag:$0x3], $0x80, s13, s28, $0xb8;
	[tilespmem:$0x1DC00] =	vst v63  }
0x129: {  	_ =	swait.ge [sflag:s24], $0x4000  }
0x12a: {  	s11 =	simm.s32 $0x400;
	[sflag:s24] =	ssyncset.done $0x0  }
.LBB2_11:
0x12b: {  	p1 =	sne.s32 s11, $0x3800  }
0x12c: {  	[sflag:s24] =	ssyncadd.s32 $0xFFFFC000;
	s12 =	smov.u32 s11;
	s11 =	sadd.s32 $0x400, s11  }
0x12d: {  	_ = 	snop  }
0x12e: {  	_ =	swait.ge [sflag:s29], $0x4000  }
0x12f: {  	s12 =	sshra.s32 s12, $0x2;
	[sflag:s29] =	ssyncset.done $0x0  }
0x130: {  	s13 =	sadd.s32 $0x80, s12;
	[sflag:s29] =	ssyncadd.s32 $0xFFFFC000  }
0x131: {  	[tilespmem:s30], [sflag:$0x2] =	stream.indirect.gather [hbm4b:s4+s28], $0x80, s13, s28, $0xb8;
	[tilespmem:$0x1DC00] =	vst v63  }
0x132: {  	s13 =	sadd.s32 $0x1000, s12  }
0x133: {  	[spmem:s2] =	stream.indirect.scatter.add.f32 [tilespmem:s23], [sflag:$0x3], $0x80, s13, s28, $0xb8;
	[tilespmem:$0x1DC00] =	vst v63  }
0x134: {  	_ =	swait.ge [sflag:s24], $0x4000  }
0x135: {  	[sflag:s24] =	ssyncset.done $0x0  }
0x136: {  	[sflag:s24] =	ssyncadd.s32 $0xFFFFC000  }
0x137: {  	_ =	swait.ge [sflag:s31], $0x4000  }
0x138: {  	[sflag:s31] =	ssyncset.done $0x0  }
0x139: {  	s13 =	sadd.s32 $0x100, s12;
	[sflag:s31] =	ssyncadd.s32 $0xFFFFC000  }
0x13a: {  	[tilespmem:s23], [sflag:$0x1] =	stream.indirect.gather [hbm4b:s4+s28], $0x80, s13, s28, $0xb8;
	[tilespmem:$0x1DC00] =	vst v63  }
.Ltmp7:
0x13b: {  	_ = 	snop;
	(pc) =	sbr.rel @p1 .LBB2_11-.Ltmp7, $4  }
0x13c: {  	s12 =	sadd.s32 $0x1080, s12  }
0x13d: {  	[spmem:s2] =	stream.indirect.scatter.add.f32 [tilespmem:s30], [sflag:$0x3], $0x80, s12, s28, $0xb8;
	[tilespmem:$0x1DC00] =	vst v63  }
0x13e: {  	_ =	swait.ge [sflag:s24], $0x4000  }
0x13f: {  	[sflag:s24] =	ssyncset.done $0x0  }
0x140: {  	[sflag:s24] =	ssyncadd.s32 $0xFFFFC000  }
0x141: {  	_ =	swait.ge [sflag:s29], $0x4000  }
0x142: {  	[sflag:s29] =	ssyncset.done $0x0  }
0x143: {  	[sflag:s29] =	ssyncadd.s32 $0xFFFFC000  }
0x144: {  	[tilespmem:s30], [sflag:$0x2] =	stream.indirect.gather [hbm4b:s4+s28], $0x80, s0, s28, $0xb8;
	[tilespmem:$0x1DC00] =	vst v63  }
0x145: {  	_ = 	snop  }
0x146: {  	[spmem:s2] =	stream.indirect.scatter.add.f32 [tilespmem:s23], [sflag:$0x3], $0x80, s3, s28, $0xb8;
	[tilespmem:$0x1DC00] =	vst v63  }
0x147: {  	_ =	swait.ge [sflag:s24], $0x4000  }
0x148: {  	[sflag:s24] =	ssyncset.done $0x0  }
0x149: {  	[sflag:s24] =	ssyncadd.s32 $0xFFFFC000  }
0x14a: {  	_ =	swait.ge [sflag:s31], $0x4000  }
0x14b: {  	[sflag:s31] =	ssyncset.done $0x0  }
0x14c: {  	[sflag:s31] =	ssyncadd.s32 $0xFFFFC000  }
0x14d: {  	[spmem:s2] =	stream.indirect.scatter.add.f32 [tilespmem:s30], [sflag:$0x3], $0x80, s9, s28, $0xb8;
	[tilespmem:$0x1DC00] =	vst v63  }
0x14e: {  	_ =	swait.ge [sflag:s24], $0x4000  }
0x14f: {  	[sflag:s24] =	ssyncset.done $0x0  }
0x150: {  	s11 =	sshll.u32 s1, $0x6;
	s12 =	sshrl.u32 s5, $0x3;
	[sflag:s24] =	ssyncadd.s32 $0xFFFFC000  }
.Ltmp8:
0x151: {  	s11 =	sor.u32 $0x1C03, s11;
	[bflag:$0x0] =	sbarrier.arrive $0xFFFF;
	(pc) =	sbr.rel .LBB2_16-.Ltmp8, $4  }
0x152: {  	[hbm:s21], [sflag:s11] =	dma.local [spmem:s12], $0x2780  }
0x153: {  	_ =	swait.ge [sflag:s24], $0x2780  }
0x154: {  	[sflag:s24] =	ssyncset.done $0x0  }
0x155: {  	[sflag:s24] =	ssyncadd.s32 $0xFFFFD880  }
.LBB2_13:
0x156: {  	s12 =	rddreg [dreg:$0x4]  }
0x157: {  	[tilespmem:s11], [sflag:$0x3] =	stream.linear.gather [hbm4b:s12+s11], $0x1000, $0x38;
	[tilespmem:$0x1DC00] =	vst v63  }
0x158: {  	_ =	swait.ge [sflag:s24], $0x1000  }
0x159: {  	[sflag:s24] =	ssyncset.done $0x0  }
0x15a: {  	s13 =	rddreg [dreg:$0x5];
	[sflag:s24] =	ssyncadd.s32 $0xFFFFF000  }
0x15b: {  	[tilespmem:s26], [sflag:$0x3] =	stream.linear.gather [hbm4b:s13+s11], $0x1000, $0x38;
	[tilespmem:$0x1DC00] =	vst v63  }
0x15c: {  	_ =	swait.ge [sflag:s24], $0x1000  }
0x15d: {  	[sflag:s24] =	ssyncset.done $0x0  }
0x15e: {  	[sflag:s24] =	ssyncadd.s32 $0xFFFFF000  }
0x15f: {  	[tilespmem:s23], [sflag:$0x1] =	stream.indirect.gather [hbm4b:s4+s28], $0x80, s11, s28, $0xb8;
	[tilespmem:$0x1DC00] =	vst v63  }
0x160: {  	_ =	swait.ge [sflag:s29], $0x4000  }
0x161: {  	[sflag:s29] =	ssyncset.done $0x0  }
0x162: {  	s12 =	simm.s32 $0x80;
	[sflag:s29] =	ssyncadd.s32 $0xFFFFC000  }
0x163: {  	[tilespmem:s30], [sflag:$0x2] =	stream.indirect.gather [hbm4b:s4+s28], $0x80, s12, s28, $0xb8;
	[tilespmem:$0x1DC00] =	vst v63  }
0x164: {  	s13 =	simm.s32 $0x1000  }
0x165: {  	[spmem:s2] =	stream.indirect.scatter.add.f32 [tilespmem:s23], [sflag:$0x3], $0x80, s13, s28, $0xb8;
	[tilespmem:$0x1DC00] =	vst v63  }
0x166: {  	_ =	swait.ge [sflag:s24], $0x4000  }
0x167: {  	[sflag:s24] =	ssyncset.done $0x0  }
0x168: {  	[sflag:s24] =	ssyncadd.s32 $0xFFFFC000  }
0x169: {  	_ =	swait.ge [sflag:s31], $0x4000  }
0x16a: {  	[sflag:s31] =	ssyncset.done $0x0  }
0x16b: {  	s12 =	simm.s32 $0x100;
	[sflag:s31] =	ssyncadd.s32 $0xFFFFC000  }
0x16c: {  	[tilespmem:s23], [sflag:$0x1] =	stream.indirect.gather [hbm4b:s4+s28], $0x80, s12, s28, $0xb8;
	[tilespmem:$0x1DC00] =	vst v63  }
0x16d: {  	s13 =	simm.s32 $0x1080  }
0x16e: {  	[spmem:s2] =	stream.indirect.scatter.add.f32 [tilespmem:s30], [sflag:$0x3], $0x80, s13, s28, $0xb8;
	[tilespmem:$0x1DC00] =	vst v63  }
0x16f: {  	_ =	swait.ge [sflag:s24], $0x4000  }
0x170: {  	s11 =	simm.s32 $0x400;
	[sflag:s24] =	ssyncset.done $0x0  }
.LBB2_14:
0x171: {  	p1 =	sne.s32 s11, $0x3800  }
0x172: {  	[sflag:s24] =	ssyncadd.s32 $0xFFFFC000;
	s12 =	smov.u32 s11;
	s11 =	sadd.s32 $0x400, s11  }
0x173: {  	_ = 	snop  }
0x174: {  	_ =	swait.ge [sflag:s29], $0x4000  }
0x175: {  	s12 =	sshra.s32 s12, $0x2;
	[sflag:s29] =	ssyncset.done $0x0  }
0x176: {  	s13 =	sadd.s32 $0x80, s12;
	[sflag:s29] =	ssyncadd.s32 $0xFFFFC000  }
0x177: {  	[tilespmem:s30], [sflag:$0x2] =	stream.indirect.gather [hbm4b:s4+s28], $0x80, s13, s28, $0xb8;
	[tilespmem:$0x1DC00] =	vst v63  }
0x178: {  	s13 =	sadd.s32 $0x1000, s12  }
0x179: {  	[spmem:s2] =	stream.indirect.scatter.add.f32 [tilespmem:s23], [sflag:$0x3], $0x80, s13, s28, $0xb8;
	[tilespmem:$0x1DC00] =	vst v63  }
0x17a: {  	_ =	swait.ge [sflag:s24], $0x4000  }
0x17b: {  	[sflag:s24] =	ssyncset.done $0x0  }
0x17c: {  	[sflag:s24] =	ssyncadd.s32 $0xFFFFC000  }
0x17d: {  	_ =	swait.ge [sflag:s31], $0x4000  }
0x17e: {  	[sflag:s31] =	ssyncset.done $0x0  }
0x17f: {  	s13 =	sadd.s32 $0x100, s12;
	[sflag:s31] =	ssyncadd.s32 $0xFFFFC000  }
0x180: {  	[tilespmem:s23], [sflag:$0x1] =	stream.indirect.gather [hbm4b:s4+s28], $0x80, s13, s28, $0xb8;
	[tilespmem:$0x1DC00] =	vst v63  }
.Ltmp9:
0x181: {  	_ = 	snop;
	(pc) =	sbr.rel @p1 .LBB2_14-.Ltmp9, $4  }
0x182: {  	s12 =	sadd.s32 $0x1080, s12  }
0x183: {  	[spmem:s2] =	stream.indirect.scatter.add.f32 [tilespmem:s30], [sflag:$0x3], $0x80, s12, s28, $0xb8;
	[tilespmem:$0x1DC00] =	vst v63  }
0x184: {  	_ =	swait.ge [sflag:s24], $0x4000  }
0x185: {  	[sflag:s24] =	ssyncset.done $0x0  }
.Ltmp10:
0x186: {  	_ = 	snop;
	(pc) =	sbr.rel .LBB2_15-.Ltmp10, $1  }
0x187: {  	_ =	sdelay $0x3  }
.LBB2_17:
0x188: {  	_ =	sfence.sel $0x180000  }
0x189: {  	[bflag:$0x0] =	sbarrier.arrive $0xFFFF  }
0x18a: {  	_ =	strace $0x90000047  }
0x18b: {  	[bflag:$0x2] =	sbarrier.arrive $0xFFFF  }
0x18c: {  	p0 =	sne.s32 s1, $0x0;
	s0 =	rddreg [dreg:$0x3]  }
0x18d: {  	s0 =	sadd.s32 @!p0 $0x100000, s0  }
0x18e: {  	[sflag:s0] =	ssyncadd.tile.s32 @!p0 $0x1;
	_ =	shalt  }
.Lfunc_end2:
_tile_overlayer_lowered:
.L_overlay_start_2:
0x18f: {  	(tag) =	ssettag $0x2  }
0x190: {  	s0 =	rddreg [dreg:$0x0];
	s2 =	stileid.u32  }
0x191: {  	s1 =	rddreg [dreg:$0x1];
	p0 =	sne.s32 s2, $0x0  }
0x192: {  	s3 =	rddreg [dreg:$0x2];
	[bflag:$0x3] =	sbarrier.arrive $0xFFFF;
	s2 =	simm.s32 @!p0 $0x1C03  }
0x193: {  	[timem:s3], [sflag:s2] =	dma.local @!p0 [hbm:s0], s1  }
0x194: {  	s0 =	simm.s32 @!p0 $0x3  }
0x195: {  	_ =	swait.ge @!p0 [sflag:s0], s1  }
0x196: {  	s1 =	ssub.s32 @!p0 $0x0, s1;
	[sflag:s0] =	ssyncset.done @!p0 $0x0  }
0x197: {  	[sflag:s0] =	ssyncadd.s32 @!p0 s1  }
0x198: {  	[bflag:$0x3] =	sbarrier.arrive $0xFFFF  }
0x199: {  	_ =	shalt  }

</sc_bundles>
